<compile_context>
chip_gen: v7x
topology: tpu7x:2x2x1
jax: 0.10.2.dev20260603
libtpu: 0.0.44.dev20260713+nightly
codegen_flags: <defaults>
</compile_context>

<pallas_src>
import functools

import jax
import jax.numpy as jnp
from jax import lax
from jax.experimental import pallas as pl
from jax.experimental.pallas import tpu as pltpu
from jax.experimental.pallas import tpu_sc as plsc

N = 320000
D = 128
NUM_SEGMENTS = 10000

NUM_CORES = 2
NUM_SUBCORES = 16
NUM_WORKERS = NUM_CORES * NUM_SUBCORES

ROWS_PER_WORKER = N // NUM_WORKERS
CHUNK = 128
NUM_FULL_CHUNKS = ROWS_PER_WORKER // CHUNK
TAIL = ROWS_PER_WORKER - NUM_FULL_CHUNKS * CHUNK
STRIP = 624
STRIP_COVERED = STRIP * NUM_SUBCORES
STRIP_REM = NUM_SEGMENTS - STRIP_COVERED


def _seg_sum_sc(x, batch_index):
    mesh = plsc.VectorSubcoreMesh(core_axis_name="c", subcore_axis_name="s")

    @functools.partial(
        pl.kernel,
        mesh=mesh,
        out_type=jax.ShapeDtypeStruct((NUM_CORES, NUM_SEGMENTS, D), jnp.float32),
        scratch_types=[
            pltpu.VMEM_SHARED((NUM_SEGMENTS, D), jnp.float32),
            pltpu.VMEM((CHUNK, D), jnp.float32),
            pltpu.VMEM((CHUNK,), jnp.int32),
            pltpu.VMEM((CHUNK, D), jnp.float32),
            pltpu.VMEM((CHUNK,), jnp.int32),
            pltpu.VMEM((CHUNK, D), jnp.float32),
            pltpu.VMEM((CHUNK,), jnp.int32),
            pltpu.VMEM((TAIL,), jnp.int32),
            pltpu.SemaphoreType.DMA,
            pltpu.SemaphoreType.DMA,
            pltpu.SemaphoreType.DMA,
            pltpu.SemaphoreType.DMA,
            pltpu.SemaphoreType.DMA,
            pltpu.SemaphoreType.DMA,
            pltpu.SemaphoreType.DMA,
            pltpu.SemaphoreType.DMA,
            pltpu.SemaphoreType.DMA,
        ],
    )
    def k(x_hbm, idx_hbm, out_hbm, acc, rows_0, idx_0, rows_1, idx_1,
          rows_2, idx_2, idx_t, sr0, si0, sr1, si1, sr2, si2,
          ss0, ss1, ss2):
        c = lax.axis_index("c")
        s = lax.axis_index("s")
        wid = c * NUM_SUBCORES + s
        base = wid * ROWS_PER_WORKER

        bufs = (
            (rows_0, idx_0, sr0, si0, ss0),
            (rows_1, idx_1, sr1, si1, ss1),
            (rows_2, idx_2, sr2, si2, ss2),
        )

        def load_chunk(i, b):
            rb, ib, sr, si, _ = bufs[b]
            row0 = base + i * CHUNK
            pltpu.async_copy(x_hbm.at[pl.ds(row0, CHUNK)], rb, sr)
            pltpu.async_copy(idx_hbm.at[pl.ds(row0, CHUNK)], ib, si)

        def wait_load(i, b):
            rb, ib, sr, si, _ = bufs[b]
            row0 = base + i * CHUNK
            pltpu.make_async_copy(x_hbm.at[pl.ds(row0, CHUNK)], rb, sr).wait()
            pltpu.make_async_copy(idx_hbm.at[pl.ds(row0, CHUNK)], ib, si).wait()

        def start_scatter(b):
            rb, ib, _, _, ss = bufs[b]
            pltpu.async_copy(rb, acc.at[ib], ss, add=True)

        def wait_scatter(b):
            rb, ib, _, _, ss = bufs[b]
            pltpu.make_async_copy(rb, acc.at[ib], ss).wait()

        load_chunk(0, 1)
        load_chunk(1, 2)

        zeros16 = jnp.zeros((16,), jnp.float32)

        def zero_body(i, _):
            for j in range(D // 16):
                rows_0[i, pl.ds(j * 16, 16)] = zeros16
            return 0

        lax.fori_loop(0, CHUNK, zero_body, 0)

        strip = s * STRIP
        rem = STRIP - (STRIP // CHUNK) * CHUNK
        zero_copies = [
            (rows_0, acc.at[pl.ds(strip + kk * CHUNK, CHUNK)])
            for kk in range(STRIP // CHUNK)
        ]
        zero_copies.append(
            (rows_0.at[pl.ds(0, rem)],
             acc.at[pl.ds(strip + (STRIP // CHUNK) * CHUNK, rem)])
        )
        for src, dst in zero_copies:
            pltpu.async_copy(src, dst, ss0)
        for src, dst in zero_copies:
            pltpu.make_async_copy(src, dst, ss0).wait()

        @pl.when(s == NUM_SUBCORES - 1)
        def _zero_last():
            pltpu.sync_copy(
                rows_0.at[pl.ds(0, STRIP_REM)],
                acc.at[pl.ds(STRIP_COVERED, STRIP_REM)],
            )

        plsc.subcore_barrier()

        wait_load(0, 1)
        load_chunk(2, 0)
        start_scatter(1)

        def triple_body(t, _):
            for off, b in ((1, 2), (2, 0), (3, 1)):
                i = 3 * t + off
                wait_load(i, b)
                wait_scatter((b + 2) % 3)
                load_chunk(i + 2, (b + 2) % 3)
                start_scatter(b)
            return 0

        lax.fori_loop(0, (NUM_FULL_CHUNKS - 3) // 3, triple_body, 0)

        rowt = base + NUM_FULL_CHUNKS * CHUNK
        wait_load(NUM_FULL_CHUNKS - 2, 2)
        wait_scatter(1)
        pltpu.async_copy(x_hbm.at[pl.ds(rowt, TAIL)], rows_1.at[pl.ds(0, TAIL)], sr1)
        pltpu.async_copy(idx_hbm.at[pl.ds(rowt, TAIL)], idx_t, si1)
        start_scatter(2)
        wait_load(NUM_FULL_CHUNKS - 1, 0)
        wait_scatter(2)
        start_scatter(0)
        wait_scatter(0)

        pltpu.make_async_copy(
            x_hbm.at[pl.ds(rowt, TAIL)], rows_1.at[pl.ds(0, TAIL)], sr1
        ).wait()
        pltpu.make_async_copy(idx_hbm.at[pl.ds(rowt, TAIL)], idx_t, si1).wait()
        pltpu.sync_copy(rows_1.at[pl.ds(0, TAIL)], acc.at[idx_t], add=True)

        plsc.subcore_barrier()

        pltpu.sync_copy(
            acc.at[pl.ds(strip, STRIP)],
            out_hbm.at[c, pl.ds(strip, STRIP)],
        )

        @pl.when(s == NUM_SUBCORES - 1)
        def _dump_last():
            pltpu.sync_copy(
                acc.at[pl.ds(STRIP_COVERED, STRIP_REM)],
                out_hbm.at[c, pl.ds(STRIP_COVERED, STRIP_REM)],
            )

    return k(x, batch_index)


def _combine_body(p_ref, o_ref):
    o_ref[...] = p_ref[0] + p_ref[1]


def _combine(partials):
    blk = 5000
    return pl.pallas_call(
        _combine_body,
        grid=(NUM_SEGMENTS // blk,),
        in_specs=[pl.BlockSpec((NUM_CORES, blk, D), lambda i: (0, i, 0))],
        out_specs=pl.BlockSpec((blk, D), lambda i: (i, 0)),
        out_shape=jax.ShapeDtypeStruct((NUM_SEGMENTS, D), jnp.float32),
    )(partials)


def kernel(x, batch_index):
    idx = batch_index.astype(jnp.int32)
    partials = _seg_sum_sc(x, idx)
    return _combine(partials)

# --- scband reference (transcript-rebuilt; emitter-appended) ---
"""Pipeline reference for scband-batch-add-pool-25125558682338 (READ-ONLY COPY).

The authoritative reference and input builder live on the scoring server;
editing this copy changes nothing except your own understanding.
"""

import jax, jax.numpy as jnp
import numpy as np

N = 320000
D = 128
NUM_SEGMENTS = 10000


def setup_inputs(seed: int = 0) -> dict:
    key = jax.random.key(seed)
    kx, ki = jax.random.split(key)
    x = jax.random.normal(kx, (N, D), dtype=jnp.float32)
    batch_index = jnp.sort(jax.random.randint(ki, (N,), 0, NUM_SEGMENTS, dtype=jnp.int64))
    # guarantee the max segment id is present so output shape is deterministic
    batch_index = batch_index.at[-1].set(NUM_SEGMENTS - 1)
    return {"x": x, "batch_index": batch_index}


def reference(x, batch_index):
    # BatchAddPool.forward with batch_index provided:
    # scatter_add rows of x into per-graph sums.
    batch_size = NUM_SEGMENTS
    x_sums = jax.ops.segment_sum(x, batch_index, num_segments=batch_size)
    return x_sums

if __name__ == "__main__":
    import jax
    _d = setup_inputs()
    print(jax.jit(kernel)(*tuple(_d.values())))

</pallas_src>

<mosaic_0001>
#map = affine_map<(d0, d1) -> (0, 0)>
#map1 = affine_map<(d0, d1) -> (0)>
#map2 = affine_map<(d0, d1) -> (0, 0, 0)>
module attributes {stable_mosaic.version = 14 : i64} {
  func.func @k(%arg0: i32, %arg1: i32, %arg2: memref<320000x128xf32, #tpu.memory_space<hbm>>, %arg3: memref<320000xi32, #tpu.memory_space<hbm>>, %arg4: memref<2x10000x128xf32, #tpu.memory_space<hbm>>, %arg5: memref<10000x128xf32, #tpu.memory_space<vmem_shared>>, %arg6: memref<128x128xf32, #tpu.memory_space<vmem>>, %arg7: memref<128xi32, #tpu.memory_space<vmem>>, %arg8: memref<128x128xf32, #tpu.memory_space<vmem>>, %arg9: memref<128xi32, #tpu.memory_space<vmem>>, %arg10: memref<128x128xf32, #tpu.memory_space<vmem>>, %arg11: memref<128xi32, #tpu.memory_space<vmem>>, %arg12: memref<16xi32, #tpu.memory_space<vmem>>, %arg13: memref<!tpu.dma_semaphore, #tpu.memory_space<semaphore_mem>>, %arg14: memref<!tpu.dma_semaphore, #tpu.memory_space<semaphore_mem>>, %arg15: memref<!tpu.dma_semaphore, #tpu.memory_space<semaphore_mem>>, %arg16: memref<!tpu.dma_semaphore, #tpu.memory_space<semaphore_mem>>, %arg17: memref<!tpu.dma_semaphore, #tpu.memory_space<semaphore_mem>>, %arg18: memref<!tpu.dma_semaphore, #tpu.memory_space<semaphore_mem>>, %arg19: memref<!tpu.dma_semaphore, #tpu.memory_space<semaphore_mem>>, %arg20: memref<!tpu.dma_semaphore, #tpu.memory_space<semaphore_mem>>, %arg21: memref<!tpu.dma_semaphore, #tpu.memory_space<semaphore_mem>>) attributes {dimension_semantics = [#tpu.dimension_semantics<core_parallel>, #tpu.dimension_semantics<subcore_parallel>], iteration_bounds = array<i64: 2, 16>, scalar_prefetch = 0 : i64, scratch_operands = 17 : i64, tpu.core_type = #tpu.core_type<sc_vector_subcore>, window_params = [{transform_indices = #map}, {transform_indices = #map1}, {transform_indices = #map2}]} {
    %mul3A = arith.constant 16 : i32
    %mul3A_0 = arith.muli %arg0, %mul3A : i32
    %add3A = arith.addi %mul3A_0, %arg1 : i32
    %mul3A_1 = arith.constant 10000 : i32
    %mul3A_2 = arith.muli %add3A, %mul3A_1 : i32
    %add3A_3 = arith.constant 0 : i32
    %add3A_4 = arith.addi %mul3A_2, %add3A_3 : i32
    %dma_start3A = arith.constant 0 : i32
    %dma_start3A_5 = tpu.memref_slice %arg2[%add3A_4, %dma_start3A] : memref<320000x128xf32, #tpu.memory_space<hbm>> -> memref<128x128xf32, #tpu.memory_space<hbm>>
    %dma_start3A_6 = arith.constant 0 : i32
    %dma_start3A_7 = tpu.memref_slice %arg2[%add3A_4, %dma_start3A_6] : memref<320000x128xf32, #tpu.memory_space<hbm>> -> memref<128x128xf32, #tpu.memory_space<hbm>>
    tpu.enqueue_dma source(%dma_start3A_7 : memref<128x128xf32, #tpu.memory_space<hbm>>) target(%arg8 : memref<128x128xf32, #tpu.memory_space<vmem>>) target_semaphore(%arg15 : memref<!tpu.dma_semaphore, #tpu.memory_space<semaphore_mem>>)
    %dma_start3A_8 = tpu.memref_slice %arg3[%add3A_4] : memref<320000xi32, #tpu.memory_space<hbm>> -> memref<128xi32, #tpu.memory_space<hbm>>
    %dma_start3A_9 = tpu.memref_slice %arg3[%add3A_4] : memref<320000xi32, #tpu.memory_space<hbm>> -> memref<128xi32, #tpu.memory_space<hbm>>
    tpu.enqueue_dma source(%dma_start3A_9 : memref<128xi32, #tpu.memory_space<hbm>>) target(%arg9 : memref<128xi32, #tpu.memory_space<vmem>>) target_semaphore(%arg16 : memref<!tpu.dma_semaphore, #tpu.memory_space<semaphore_mem>>)
    %add3A_10 = arith.constant 128 : i32
    %add3A_11 = arith.addi %mul3A_2, %add3A_10 : i32
    %dma_start3A_12 = arith.constant 0 : i32
    %dma_start3A_13 = tpu.memref_slice %arg2[%add3A_11, %dma_start3A_12] : memref<320000x128xf32, #tpu.memory_space<hbm>> -> memref<128x128xf32, #tpu.memory_space<hbm>>
    %dma_start3A_14 = arith.constant 0 : i32
    %dma_start3A_15 = tpu.memref_slice %arg2[%add3A_11, %dma_start3A_14] : memref<320000x128xf32, #tpu.memory_space<hbm>> -> memref<128x128xf32, #tpu.memory_space<hbm>>
    tpu.enqueue_dma source(%dma_start3A_15 : memref<128x128xf32, #tpu.memory_space<hbm>>) target(%arg10 : memref<128x128xf32, #tpu.memory_space<vmem>>) target_semaphore(%arg17 : memref<!tpu.dma_semaphore, #tpu.memory_space<semaphore_mem>>)
    %dma_start3A_16 = tpu.memref_slice %arg3[%add3A_11] : memref<320000xi32, #tpu.memory_space<hbm>> -> memref<128xi32, #tpu.memory_space<hbm>>
    %dma_start3A_17 = tpu.memref_slice %arg3[%add3A_11] : memref<320000xi32, #tpu.memory_space<hbm>> -> memref<128xi32, #tpu.memory_space<hbm>>
    tpu.enqueue_dma source(%dma_start3A_17 : memref<128xi32, #tpu.memory_space<hbm>>) target(%arg11 : memref<128xi32, #tpu.memory_space<vmem>>) target_semaphore(%arg18 : memref<!tpu.dma_semaphore, #tpu.memory_space<semaphore_mem>>)
    %broadcast_in_dim3A = arith.constant 0.000000e+00 : f32
    %broadcast_in_dim3A_18 = vector.broadcast %broadcast_in_dim3A : f32 to vector<16xf32>
    %scan3A = arith.constant 0 : i32
    %scan3A_19 = arith.constant 0 : i32
    %scan3A_20 = arith.constant 128 : i32
    %scan3A_21 = arith.addi %scan3A_19, %scan3A_20 : i32
    %scan3A_22 = arith.constant 1 : i32
    %scan3A_23 = scf.for %scan3A_179 = %scan3A_19 to %scan3A_21 step %scan3A_22 iter_args(%scan3A_180 = %scan3A) -> (i32)  : i32 {
      %swap3A = arith.index_cast %scan3A_179 : i32 to index
      %swap3A_181 = arith.constant 0 : index
      %swap3A_182 = tpu.vector_load %arg6[%swap3A, %swap3A_181] {strides = array<i32>} : memref<128x128xf32, #tpu.memory_space<vmem>>, vector<1x16xf32>,
      %swap3A_183 = vector.shape_cast %swap3A_182 : vector<1x16xf32> to vector<16xf32>
      %swap3A_184 = vector.shape_cast %broadcast_in_dim3A_18 : vector<16xf32> to vector<1x16xf32>
      tpu.vector_store %arg6[%swap3A, %swap3A_181], %swap3A_184 {strides = array<i32>} : memref<128x128xf32, #tpu.memory_space<vmem>>, vector<1x16xf32>,
      %swap3A_185 = arith.index_cast %scan3A_179 : i32 to index
      %swap3A_186 = arith.constant 16 : index
      %swap3A_187 = tpu.vector_load %arg6[%swap3A_185, %swap3A_186] {strides = array<i32>} : memref<128x128xf32, #tpu.memory_space<vmem>>, vector<1x16xf32>,
      %swap3A_188 = vector.shape_cast %swap3A_187 : vector<1x16xf32> to vector<16xf32>
      %swap3A_189 = vector.shape_cast %broadcast_in_dim3A_18 : vector<16xf32> to vector<1x16xf32>
      tpu.vector_store %arg6[%swap3A_185, %swap3A_186], %swap3A_189 {strides = array<i32>} : memref<128x128xf32, #tpu.memory_space<vmem>>, vector<1x16xf32>,
      %swap3A_190 = arith.index_cast %scan3A_179 : i32 to index
      %swap3A_191 = arith.constant 32 : index
      %swap3A_192 = tpu.vector_load %arg6[%swap3A_190, %swap3A_191] {strides = array<i32>} : memref<128x128xf32, #tpu.memory_space<vmem>>, vector<1x16xf32>,
      %swap3A_193 = vector.shape_cast %swap3A_192 : vector<1x16xf32> to vector<16xf32>
      %swap3A_194 = vector.shape_cast %broadcast_in_dim3A_18 : vector<16xf32> to vector<1x16xf32>
      tpu.vector_store %arg6[%swap3A_190, %swap3A_191], %swap3A_194 {strides = array<i32>} : memref<128x128xf32, #tpu.memory_space<vmem>>, vector<1x16xf32>,
      %swap3A_195 = arith.index_cast %scan3A_179 : i32 to index
      %swap3A_196 = arith.constant 48 : index
      %swap3A_197 = tpu.vector_load %arg6[%swap3A_195, %swap3A_196] {strides = array<i32>} : memref<128x128xf32, #tpu.memory_space<vmem>>, vector<1x16xf32>,
      %swap3A_198 = vector.shape_cast %swap3A_197 : vector<1x16xf32> to vector<16xf32>
      %swap3A_199 = vector.shape_cast %broadcast_in_dim3A_18 : vector<16xf32> to vector<1x16xf32>
      tpu.vector_store %arg6[%swap3A_195, %swap3A_196], %swap3A_199 {strides = array<i32>} : memref<128x128xf32, #tpu.memory_space<vmem>>, vector<1x16xf32>,
      %swap3A_200 = arith.index_cast %scan3A_179 : i32 to index
      %swap3A_201 = arith.constant 64 : index
      %swap3A_202 = tpu.vector_load %arg6[%swap3A_200, %swap3A_201] {strides = array<i32>} : memref<128x128xf32, #tpu.memory_space<vmem>>, vector<1x16xf32>,
      %swap3A_203 = vector.shape_cast %swap3A_202 : vector<1x16xf32> to vector<16xf32>
      %swap3A_204 = vector.shape_cast %broadcast_in_dim3A_18 : vector<16xf32> to vector<1x16xf32>
      tpu.vector_store %arg6[%swap3A_200, %swap3A_201], %swap3A_204 {strides = array<i32>} : memref<128x128xf32, #tpu.memory_space<vmem>>, vector<1x16xf32>,
      %swap3A_205 = arith.index_cast %scan3A_179 : i32 to index
      %swap3A_206 = arith.constant 80 : index
      %swap3A_207 = tpu.vector_load %arg6[%swap3A_205, %swap3A_206] {strides = array<i32>} : memref<128x128xf32, #tpu.memory_space<vmem>>, vector<1x16xf32>,
      %swap3A_208 = vector.shape_cast %swap3A_207 : vector<1x16xf32> to vector<16xf32>
      %swap3A_209 = vector.shape_cast %broadcast_in_dim3A_18 : vector<16xf32> to vector<1x16xf32>
      tpu.vector_store %arg6[%swap3A_205, %swap3A_206], %swap3A_209 {strides = array<i32>} : memref<128x128xf32, #tpu.memory_space<vmem>>, vector<1x16xf32>,
      %swap3A_210 = arith.index_cast %scan3A_179 : i32 to index
      %swap3A_211 = arith.constant 96 : index
      %swap3A_212 = tpu.vector_load %arg6[%swap3A_210, %swap3A_211] {strides = array<i32>} : memref<128x128xf32, #tpu.memory_space<vmem>>, vector<1x16xf32>,
      %swap3A_213 = vector.shape_cast %swap3A_212 : vector<1x16xf32> to vector<16xf32>
      %swap3A_214 = vector.shape_cast %broadcast_in_dim3A_18 : vector<16xf32> to vector<1x16xf32>
      tpu.vector_store %arg6[%swap3A_210, %swap3A_211], %swap3A_214 {strides = array<i32>} : memref<128x128xf32, #tpu.memory_space<vmem>>, vector<1x16xf32>,
      %swap3A_215 = arith.index_cast %scan3A_179 : i32 to index
      %swap3A_216 = arith.constant 112 : index
      %swap3A_217 = tpu.vector_load %arg6[%swap3A_215, %swap3A_216] {strides = array<i32>} : memref<128x128xf32, #tpu.memory_space<vmem>>, vector<1x16xf32>,
      %swap3A_218 = vector.shape_cast %swap3A_217 : vector<1x16xf32> to vector<16xf32>
      %swap3A_219 = vector.shape_cast %broadcast_in_dim3A_18 : vector<16xf32> to vector<1x16xf32>
      tpu.vector_store %arg6[%swap3A_215, %swap3A_216], %swap3A_219 {strides = array<i32>} : memref<128x128xf32, #tpu.memory_space<vmem>>, vector<1x16xf32>,
      %scan3A_220 = arith.constant 0 : i32
      scf.yield %scan3A_220 : i32
    }
    %scan3A_24 = arith.constant 128 : i32
    %mul3A_25 = arith.constant 624 : i32
    %mul3A_26 = arith.muli %arg1, %mul3A_25 : i32
    %add3A_27 = arith.constant 0 : i32
    %add3A_28 = arith.addi %mul3A_26, %add3A_27 : i32
    %add3A_29 = arith.constant 128 : i32
    %add3A_30 = arith.addi %mul3A_26, %add3A_29 : i32
    %add3A_31 = arith.constant 256 : i32
    %add3A_32 = arith.addi %mul3A_26, %add3A_31 : i32
    %add3A_33 = arith.constant 384 : i32
    %add3A_34 = arith.addi %mul3A_26, %add3A_33 : i32
    %add3A_35 = arith.constant 512 : i32
    %add3A_36 = arith.addi %mul3A_26, %add3A_35 : i32
    %dma_start3A_37 = arith.constant 0 : i32
    %dma_start3A_38 = tpu.memref_slice %arg5[%add3A_28, %dma_start3A_37] : memref<10000x128xf32, #tpu.memory_space<vmem_shared>> -> memref<128x128xf32, #tpu.memory_space<vmem_shared>>
    %dma_start3A_39 = arith.constant 0 : i32
    %dma_start3A_40 = tpu.memref_slice %arg5[%add3A_28, %dma_start3A_39] : memref<10000x128xf32, #tpu.memory_space<vmem_shared>> -> memref<128x128xf32, #tpu.memory_space<vmem_shared>>
    tpu.enqueue_dma source(%arg6 : memref<128x128xf32, #tpu.memory_space<vmem>>) target(%dma_start3A_40 : memref<128x128xf32, #tpu.memory_space<vmem_shared>>) target_semaphore(%arg19 : memref<!tpu.dma_semaphore, #tpu.memory_space<semaphore_mem>>)
    %dma_start3A_41 = arith.constant 0 : i32
    %dma_start3A_42 = tpu.memref_slice %arg5[%add3A_30, %dma_start3A_41] : memref<10000x128xf32, #tpu.memory_space<vmem_shared>> -> memref<128x128xf32, #tpu.memory_space<vmem_shared>>
    %dma_start3A_43 = arith.constant 0 : i32
    %dma_start3A_44 = tpu.memref_slice %arg5[%add3A_30, %dma_start3A_43] : memref<10000x128xf32, #tpu.memory_space<vmem_shared>> -> memref<128x128xf32, #tpu.memory_space<vmem_shared>>
    tpu.enqueue_dma source(%arg6 : memref<128x128xf32, #tpu.memory_space<vmem>>) target(%dma_start3A_44 : memref<128x128xf32, #tpu.memory_space<vmem_shared>>) target_semaphore(%arg19 : memref<!tpu.dma_semaphore, #tpu.memory_space<semaphore_mem>>)
    %dma_start3A_45 = arith.constant 0 : i32
    %dma_start3A_46 = tpu.memref_slice %arg5[%add3A_32, %dma_start3A_45] : memref<10000x128xf32, #tpu.memory_space<vmem_shared>> -> memref<128x128xf32, #tpu.memory_space<vmem_shared>>
    %dma_start3A_47 = arith.constant 0 : i32
    %dma_start3A_48 = tpu.memref_slice %arg5[%add3A_32, %dma_start3A_47] : memref<10000x128xf32, #tpu.memory_space<vmem_shared>> -> memref<128x128xf32, #tpu.memory_space<vmem_shared>>
    tpu.enqueue_dma source(%arg6 : memref<128x128xf32, #tpu.memory_space<vmem>>) target(%dma_start3A_48 : memref<128x128xf32, #tpu.memory_space<vmem_shared>>) target_semaphore(%arg19 : memref<!tpu.dma_semaphore, #tpu.memory_space<semaphore_mem>>)
    %dma_start3A_49 = arith.constant 0 : i32
    %dma_start3A_50 = tpu.memref_slice %arg5[%add3A_34, %dma_start3A_49] : memref<10000x128xf32, #tpu.memory_space<vmem_shared>> -> memref<128x128xf32, #tpu.memory_space<vmem_shared>>
    %dma_start3A_51 = arith.constant 0 : i32
    %dma_start3A_52 = tpu.memref_slice %arg5[%add3A_34, %dma_start3A_51] : memref<10000x128xf32, #tpu.memory_space<vmem_shared>> -> memref<128x128xf32, #tpu.memory_space<vmem_shared>>
    tpu.enqueue_dma source(%arg6 : memref<128x128xf32, #tpu.memory_space<vmem>>) target(%dma_start3A_52 : memref<128x128xf32, #tpu.memory_space<vmem_shared>>) target_semaphore(%arg19 : memref<!tpu.dma_semaphore, #tpu.memory_space<semaphore_mem>>)
    %dma_start3A_53 = arith.constant 0 : i32
    %dma_start3A_54 = arith.constant 0 : i32
    %dma_start3A_55 = tpu.memref_slice %arg6[%dma_start3A_53, %dma_start3A_54] : memref<128x128xf32, #tpu.memory_space<vmem>> -> memref<112x128xf32, #tpu.memory_space<vmem>>
    %dma_start3A_56 = arith.constant 0 : i32
    %dma_start3A_57 = tpu.memref_slice %arg5[%add3A_36, %dma_start3A_56] : memref<10000x128xf32, #tpu.memory_space<vmem_shared>> -> memref<112x128xf32, #tpu.memory_space<vmem_shared>>
    %dma_start3A_58 = arith.constant 0 : i32
    %dma_start3A_59 = tpu.memref_slice %arg5[%add3A_36, %dma_start3A_58] : memref<10000x128xf32, #tpu.memory_space<vmem_shared>> -> memref<112x128xf32, #tpu.memory_space<vmem_shared>>
    %dma_start3A_60 = arith.constant 0 : i32
    %dma_start3A_61 = arith.constant 0 : i32
    %dma_start3A_62 = tpu.memref_slice %arg6[%dma_start3A_60, %dma_start3A_61] : memref<128x128xf32, #tpu.memory_space<vmem>> -> memref<112x128xf32, #tpu.memory_space<vmem>>
    tpu.enqueue_dma source(%dma_start3A_62 : memref<112x128xf32, #tpu.memory_space<vmem>>) target(%dma_start3A_59 : memref<112x128xf32, #tpu.memory_space<vmem_shared>>) target_semaphore(%arg19 : memref<!tpu.dma_semaphore, #tpu.memory_space<semaphore_mem>>)
    %dma_wait3A = arith.constant 0 : i32
    %dma_wait3A_63 = tpu.memref_slice %arg5[%add3A_28, %dma_wait3A] : memref<10000x128xf32, #tpu.memory_space<vmem_shared>> -> memref<128x128xf32, #tpu.memory_space<vmem_shared>>
    %dma_wait3A_64 = arith.constant 0 : i32
    %dma_wait3A_65 = tpu.memref_slice %arg5[%add3A_28, %dma_wait3A_64] : memref<10000x128xf32, #tpu.memory_space<vmem_shared>> -> memref<128x128xf32, #tpu.memory_space<vmem_shared>>
    tpu.wait_dma2 semaphore(%arg19 : memref<!tpu.dma_semaphore, #tpu.memory_space<semaphore_mem>>) src(%arg6 : memref<128x128xf32, #tpu.memory_space<vmem>>) dst(%dma_wait3A_65 : memref<128x128xf32, #tpu.memory_space<vmem_shared>>)
    %dma_wait3A_66 = arith.constant 0 : i32
    %dma_wait3A_67 = tpu.memref_slice %arg5[%add3A_30, %dma_wait3A_66] : memref<10000x128xf32, #tpu.memory_space<vmem_shared>> -> memref<128x128xf32, #tpu.memory_space<vmem_shared>>
    %dma_wait3A_68 = arith.constant 0 : i32
    %dma_wait3A_69 = tpu.memref_slice %arg5[%add3A_30, %dma_wait3A_68] : memref<10000x128xf32, #tpu.memory_space<vmem_shared>> -> memref<128x128xf32, #tpu.memory_space<vmem_shared>>
    tpu.wait_dma2 semaphore(%arg19 : memref<!tpu.dma_semaphore, #tpu.memory_space<semaphore_mem>>) src(%arg6 : memref<128x128xf32, #tpu.memory_space<vmem>>) dst(%dma_wait3A_69 : memref<128x128xf32, #tpu.memory_space<vmem_shared>>)
    %dma_wait3A_70 = arith.constant 0 : i32
    %dma_wait3A_71 = tpu.memref_slice %arg5[%add3A_32, %dma_wait3A_70] : memref<10000x128xf32, #tpu.memory_space<vmem_shared>> -> memref<128x128xf32, #tpu.memory_space<vmem_shared>>
    %dma_wait3A_72 = arith.constant 0 : i32
    %dma_wait3A_73 = tpu.memref_slice %arg5[%add3A_32, %dma_wait3A_72] : memref<10000x128xf32, #tpu.memory_space<vmem_shared>> -> memref<128x128xf32, #tpu.memory_space<vmem_shared>>
    tpu.wait_dma2 semaphore(%arg19 : memref<!tpu.dma_semaphore, #tpu.memory_space<semaphore_mem>>) src(%arg6 : memref<128x128xf32, #tpu.memory_space<vmem>>) dst(%dma_wait3A_73 : memref<128x128xf32, #tpu.memory_space<vmem_shared>>)
    %dma_wait3A_74 = arith.constant 0 : i32
    %dma_wait3A_75 = tpu.memref_slice %arg5[%add3A_34, %dma_wait3A_74] : memref<10000x128xf32, #tpu.memory_space<vmem_shared>> -> memref<128x128xf32, #tpu.memory_space<vmem_shared>>
    %dma_wait3A_76 = arith.constant 0 : i32
    %dma_wait3A_77 = tpu.memref_slice %arg5[%add3A_34, %dma_wait3A_76] : memref<10000x128xf32, #tpu.memory_space<vmem_shared>> -> memref<128x128xf32, #tpu.memory_space<vmem_shared>>
    tpu.wait_dma2 semaphore(%arg19 : memref<!tpu.dma_semaphore, #tpu.memory_space<semaphore_mem>>) src(%arg6 : memref<128x128xf32, #tpu.memory_space<vmem>>) dst(%dma_wait3A_77 : memref<128x128xf32, #tpu.memory_space<vmem_shared>>)
    %dma_wait3A_78 = arith.constant 0 : i32
    %dma_wait3A_79 = arith.constant 0 : i32
    %dma_wait3A_80 = tpu.memref_slice %arg6[%dma_wait3A_78, %dma_wait3A_79] : memref<128x128xf32, #tpu.memory_space<vmem>> -> memref<112x128xf32, #tpu.memory_space<vmem>>
    %dma_wait3A_81 = arith.constant 0 : i32
    %dma_wait3A_82 = tpu.memref_slice %arg5[%add3A_36, %dma_wait3A_81] : memref<10000x128xf32, #tpu.memory_space<vmem_shared>> -> memref<112x128xf32, #tpu.memory_space<vmem_shared>>
    %dma_wait3A_83 = arith.constant 0 : i32
    %dma_wait3A_84 = tpu.memref_slice %arg5[%add3A_36, %dma_wait3A_83] : memref<10000x128xf32, #tpu.memory_space<vmem_shared>> -> memref<112x128xf32, #tpu.memory_space<vmem_shared>>
    %dma_wait3A_85 = arith.constant 0 : i32
    %dma_wait3A_86 = arith.constant 0 : i32
    %dma_wait3A_87 = tpu.memref_slice %arg6[%dma_wait3A_85, %dma_wait3A_86] : memref<128x128xf32, #tpu.memory_space<vmem>> -> memref<112x128xf32, #tpu.memory_space<vmem>>
    tpu.wait_dma2 semaphore(%arg19 : memref<!tpu.dma_semaphore, #tpu.memory_space<semaphore_mem>>) src(%dma_wait3A_87 : memref<112x128xf32, #tpu.memory_space<vmem>>) dst(%dma_wait3A_84 : memref<112x128xf32, #tpu.memory_space<vmem_shared>>)
    %eq3A = arith.constant 15 : i32
    %eq3A_88 = arith.cmpi eq, %arg1, %eq3A : i32
    %convert_element_type3A = arith.extui %eq3A_88 : i1 to i32
    %cond3A = arith.constant 0 : i32
    %cond3A_89 = arith.cmpi ne, %convert_element_type3A, %cond3A : i32
    scf.if %cond3A_89 {
      "tpu.region"() ({
        %run_scoped3A = tpu.sem_alloc : memref<!tpu.dma_semaphore, #tpu.memory_space<semaphore_mem>>
        %dma_start3A_179 = arith.constant 0 : i32
        %dma_start3A_180 = arith.constant 0 : i32
        %dma_start3A_181 = tpu.memref_slice %arg6[%dma_start3A_179, %dma_start3A_180] : memref<128x128xf32, #tpu.memory_space<vmem>> -> memref<16x128xf32, #tpu.memory_space<vmem>>
        %dma_start3A_182 = arith.constant 9984 : i32
        %dma_start3A_183 = arith.constant 0 : i32
        %dma_start3A_184 = tpu.memref_slice %arg5[%dma_start3A_182, %dma_start3A_183] : memref<10000x128xf32, #tpu.memory_space<vmem_shared>> -> memref<16x128xf32, #tpu.memory_space<vmem_shared>>
        %dma_start3A_185 = arith.constant 9984 : i32
        %dma_start3A_186 = arith.constant 0 : i32
        %dma_start3A_187 = tpu.memref_slice %arg5[%dma_start3A_185, %dma_start3A_186] : memref<10000x128xf32, #tpu.memory_space<vmem_shared>> -> memref<16x128xf32, #tpu.memory_space<vmem_shared>>
        %dma_start3A_188 = arith.constant 0 : i32
        %dma_start3A_189 = arith.constant 0 : i32
        %dma_start3A_190 = tpu.memref_slice %arg6[%dma_start3A_188, %dma_start3A_189] : memref<128x128xf32, #tpu.memory_space<vmem>> -> memref<16x128xf32, #tpu.memory_space<vmem>>
        tpu.enqueue_dma source(%dma_start3A_190 : memref<16x128xf32, #tpu.memory_space<vmem>>) target(%dma_start3A_187 : memref<16x128xf32, #tpu.memory_space<vmem_shared>>) target_semaphore(%run_scoped3A : memref<!tpu.dma_semaphore, #tpu.memory_space<semaphore_mem>>)
        %dma_wait3A_191 = arith.constant 0 : i32
        %dma_wait3A_192 = arith.constant 0 : i32
        %dma_wait3A_193 = tpu.memref_slice %arg6[%dma_wait3A_191, %dma_wait3A_192] : memref<128x128xf32, #tpu.memory_space<vmem>> -> memref<16x128xf32, #tpu.memory_space<vmem>>
        %dma_wait3A_194 = arith.constant 9984 : i32
        %dma_wait3A_195 = arith.constant 0 : i32
        %dma_wait3A_196 = tpu.memref_slice %arg5[%dma_wait3A_194, %dma_wait3A_195] : memref<10000x128xf32, #tpu.memory_space<vmem_shared>> -> memref<16x128xf32, #tpu.memory_space<vmem_shared>>
        %dma_wait3A_197 = arith.constant 9984 : i32
        %dma_wait3A_198 = arith.constant 0 : i32
        %dma_wait3A_199 = tpu.memref_slice %arg5[%dma_wait3A_197, %dma_wait3A_198] : memref<10000x128xf32, #tpu.memory_space<vmem_shared>> -> memref<16x128xf32, #tpu.memory_space<vmem_shared>>
        %dma_wait3A_200 = arith.constant 0 : i32
        %dma_wait3A_201 = arith.constant 0 : i32
        %dma_wait3A_202 = tpu.memref_slice %arg6[%dma_wait3A_200, %dma_wait3A_201] : memref<128x128xf32, #tpu.memory_space<vmem>> -> memref<16x128xf32, #tpu.memory_space<vmem>>
        tpu.wait_dma2 semaphore(%run_scoped3A : memref<!tpu.dma_semaphore, #tpu.memory_space<semaphore_mem>>) src(%dma_wait3A_202 : memref<16x128xf32, #tpu.memory_space<vmem>>) dst(%dma_wait3A_199 : memref<16x128xf32, #tpu.memory_space<vmem_shared>>)
        tpu.yield
      }) : () -> ()
    } else {
    }
    %barrier3A = arith.constant 0 : index
    tpu.barrier barrier_id(%barrier3A)
    %add3A_90 = arith.constant 0 : i32
    %add3A_91 = arith.addi %mul3A_2, %add3A_90 : i32
    %dma_wait3A_92 = arith.constant 0 : i32
    %dma_wait3A_93 = tpu.memref_slice %arg2[%add3A_91, %dma_wait3A_92] : memref<320000x128xf32, #tpu.memory_space<hbm>> -> memref<128x128xf32, #tpu.memory_space<hbm>>
    %dma_wait3A_94 = arith.constant 0 : i32
    %dma_wait3A_95 = tpu.memref_slice %arg2[%add3A_91, %dma_wait3A_94] : memref<320000x128xf32, #tpu.memory_space<hbm>> -> memref<128x128xf32, #tpu.memory_space<hbm>>
    tpu.wait_dma2 semaphore(%arg15 : memref<!tpu.dma_semaphore, #tpu.memory_space<semaphore_mem>>) src(%dma_wait3A_95 : memref<128x128xf32, #tpu.memory_space<hbm>>) dst(%arg8 : memref<128x128xf32, #tpu.memory_space<vmem>>)
    %dma_wait3A_96 = tpu.memref_slice %arg3[%add3A_91] : memref<320000xi32, #tpu.memory_space<hbm>> -> memref<128xi32, #tpu.memory_space<hbm>>
    %dma_wait3A_97 = tpu.memref_slice %arg3[%add3A_91] : memref<320000xi32, #tpu.memory_space<hbm>> -> memref<128xi32, #tpu.memory_space<hbm>>
    tpu.wait_dma2 semaphore(%arg16 : memref<!tpu.dma_semaphore, #tpu.memory_space<semaphore_mem>>) src(%dma_wait3A_97 : memref<128xi32, #tpu.memory_space<hbm>>) dst(%arg9 : memref<128xi32, #tpu.memory_space<vmem>>)
    %add3A_98 = arith.constant 256 : i32
    %add3A_99 = arith.addi %mul3A_2, %add3A_98 : i32
    %dma_start3A_100 = arith.constant 0 : i32
    %dma_start3A_101 = tpu.memref_slice %arg2[%add3A_99, %dma_start3A_100] : memref<320000x128xf32, #tpu.memory_space<hbm>> -> memref<128x128xf32, #tpu.memory_space<hbm>>
    %dma_start3A_102 = arith.constant 0 : i32
    %dma_start3A_103 = tpu.memref_slice %arg2[%add3A_99, %dma_start3A_102] : memref<320000x128xf32, #tpu.memory_space<hbm>> -> memref<128x128xf32, #tpu.memory_space<hbm>>
    tpu.enqueue_dma source(%dma_start3A_103 : memref<128x128xf32, #tpu.memory_space<hbm>>) target(%arg6 : memref<128x128xf32, #tpu.memory_space<vmem>>) target_semaphore(%arg13 : memref<!tpu.dma_semaphore, #tpu.memory_space<semaphore_mem>>)
    %dma_start3A_104 = tpu.memref_slice %arg3[%add3A_99] : memref<320000xi32, #tpu.memory_space<hbm>> -> memref<128xi32, #tpu.memory_space<hbm>>
    %dma_start3A_105 = tpu.memref_slice %arg3[%add3A_99] : memref<320000xi32, #tpu.memory_space<hbm>> -> memref<128xi32, #tpu.memory_space<hbm>>
    tpu.enqueue_dma source(%dma_start3A_105 : memref<128xi32, #tpu.memory_space<hbm>>) target(%arg7 : memref<128xi32, #tpu.memory_space<vmem>>) target_semaphore(%arg14 : memref<!tpu.dma_semaphore, #tpu.memory_space<semaphore_mem>>)
    %dma_start3A_106 = arith.constant 0 : i32
    %dma_start3A_107 = arith.constant 0 : i32
    %dma_start3A_108 = tpu.memref_slice %arg5[%dma_start3A_106, %dma_start3A_107] : memref<10000x128xf32, #tpu.memory_space<vmem_shared>> -> memref<10000x128xf32, #tpu.memory_space<vmem_shared>>
    tpu.enqueue_indirect_dma source(%arg8 : memref<128x128xf32, #tpu.memory_space<vmem>>) target(%dma_start3A_108 : memref<10000x128xf32, #tpu.memory_space<vmem_shared>>) offsets(%arg9 : memref<128xi32, #tpu.memory_space<vmem>>) semaphore(%arg20 : memref<!tpu.dma_semaphore, #tpu.memory_space<semaphore_mem>>) {add = true}
    %scan3A_109 = arith.constant 0 : i32
    %scan3A_110 = arith.constant 0 : i32
    %scan3A_111 = arith.constant 25 : i32
    %scan3A_112 = arith.addi %scan3A_110, %scan3A_111 : i32
    %scan3A_113 = arith.constant 1 : i32
    %scan3A_114 = scf.for %scan3A_179 = %scan3A_110 to %scan3A_112 step %scan3A_113 iter_args(%scan3A_180 = %scan3A_109) -> (i32)  : i32 {
      %mul3A_181 = arith.constant 3 : i32
      %mul3A_182 = arith.muli %mul3A_181, %scan3A_179 : i32
      %add3A_183 = arith.constant 1 : i32
      %add3A_184 = arith.addi %mul3A_182, %add3A_183 : i32
      %mul3A_185 = arith.constant 128 : i32
      %mul3A_186 = arith.muli %add3A_184, %mul3A_185 : i32
      %add3A_187 = arith.addi %mul3A_2, %mul3A_186 : i32
      %dma_wait3A_188 = arith.constant 0 : i32
      %dma_wait3A_189 = tpu.memref_slice %arg2[%add3A_187, %dma_wait3A_188] : memref<320000x128xf32, #tpu.memory_space<hbm>> -> memref<128x128xf32, #tpu.memory_space<hbm>>
      %dma_wait3A_190 = arith.constant 0 : i32
      %dma_wait3A_191 = tpu.memref_slice %arg2[%add3A_187, %dma_wait3A_190] : memref<320000x128xf32, #tpu.memory_space<hbm>> -> memref<128x128xf32, #tpu.memory_space<hbm>>
      tpu.wait_dma2 semaphore(%arg17 : memref<!tpu.dma_semaphore, #tpu.memory_space<semaphore_mem>>) src(%dma_wait3A_191 : memref<128x128xf32, #tpu.memory_space<hbm>>) dst(%arg10 : memref<128x128xf32, #tpu.memory_space<vmem>>)
      %dma_wait3A_192 = tpu.memref_slice %arg3[%add3A_187] : memref<320000xi32, #tpu.memory_space<hbm>> -> memref<128xi32, #tpu.memory_space<hbm>>
      %dma_wait3A_193 = tpu.memref_slice %arg3[%add3A_187] : memref<320000xi32, #tpu.memory_space<hbm>> -> memref<128xi32, #tpu.memory_space<hbm>>
      tpu.wait_dma2 semaphore(%arg18 : memref<!tpu.dma_semaphore, #tpu.memory_space<semaphore_mem>>) src(%dma_wait3A_193 : memref<128xi32, #tpu.memory_space<hbm>>) dst(%arg11 : memref<128xi32, #tpu.memory_space<vmem>>)
      %dma_wait3A_194 = arith.constant 0 : i32
      %dma_wait3A_195 = arith.constant 0 : i32
      %dma_wait3A_196 = tpu.memref_slice %arg5[%dma_wait3A_194, %dma_wait3A_195] : memref<10000x128xf32, #tpu.memory_space<vmem_shared>> -> memref<10000x128xf32, #tpu.memory_space<vmem_shared>>
      tpu.wait_indirect_dma semaphore(%arg20 : memref<!tpu.dma_semaphore, #tpu.memory_space<semaphore_mem>>) src(%arg8 : memref<128x128xf32, #tpu.memory_space<vmem>>) dst(%dma_wait3A_196 : memref<10000x128xf32, #tpu.memory_space<vmem_shared>>)
      %add3A_197 = arith.constant 2 : i32
      %add3A_198 = arith.addi %add3A_184, %add3A_197 : i32
      %mul3A_199 = arith.constant 128 : i32
      %mul3A_200 = arith.muli %add3A_198, %mul3A_199 : i32
      %add3A_201 = arith.addi %mul3A_2, %mul3A_200 : i32
      %dma_start3A_202 = arith.constant 0 : i32
      %dma_start3A_203 = tpu.memref_slice %arg2[%add3A_201, %dma_start3A_202] : memref<320000x128xf32, #tpu.memory_space<hbm>> -> memref<128x128xf32, #tpu.memory_space<hbm>>
      %dma_start3A_204 = arith.constant 0 : i32
      %dma_start3A_205 = tpu.memref_slice %arg2[%add3A_201, %dma_start3A_204] : memref<320000x128xf32, #tpu.memory_space<hbm>> -> memref<128x128xf32, #tpu.memory_space<hbm>>
      tpu.enqueue_dma source(%dma_start3A_205 : memref<128x128xf32, #tpu.memory_space<hbm>>) target(%arg8 : memref<128x128xf32, #tpu.memory_space<vmem>>) target_semaphore(%arg15 : memref<!tpu.dma_semaphore, #tpu.memory_space<semaphore_mem>>)
      %dma_start3A_206 = tpu.memref_slice %arg3[%add3A_201] : memref<320000xi32, #tpu.memory_space<hbm>> -> memref<128xi32, #tpu.memory_space<hbm>>
      %dma_start3A_207 = tpu.memref_slice %arg3[%add3A_201] : memref<320000xi32, #tpu.memory_space<hbm>> -> memref<128xi32, #tpu.memory_space<hbm>>
      tpu.enqueue_dma source(%dma_start3A_207 : memref<128xi32, #tpu.memory_space<hbm>>) target(%arg9 : memref<128xi32, #tpu.memory_space<vmem>>) target_semaphore(%arg16 : memref<!tpu.dma_semaphore, #tpu.memory_space<semaphore_mem>>)
      %dma_start3A_208 = arith.constant 0 : i32
      %dma_start3A_209 = arith.constant 0 : i32
      %dma_start3A_210 = tpu.memref_slice %arg5[%dma_start3A_208, %dma_start3A_209] : memref<10000x128xf32, #tpu.memory_space<vmem_shared>> -> memref<10000x128xf32, #tpu.memory_space<vmem_shared>>
      tpu.enqueue_indirect_dma source(%arg10 : memref<128x128xf32, #tpu.memory_space<vmem>>) target(%dma_start3A_210 : memref<10000x128xf32, #tpu.memory_space<vmem_shared>>) offsets(%arg11 : memref<128xi32, #tpu.memory_space<vmem>>) semaphore(%arg21 : memref<!tpu.dma_semaphore, #tpu.memory_space<semaphore_mem>>) {add = true}
      %mul3A_211 = arith.constant 3 : i32
      %mul3A_212 = arith.muli %mul3A_211, %scan3A_179 : i32
      %add3A_213 = arith.constant 2 : i32
      %add3A_214 = arith.addi %mul3A_212, %add3A_213 : i32
      %mul3A_215 = arith.constant 128 : i32
      %mul3A_216 = arith.muli %add3A_214, %mul3A_215 : i32
      %add3A_217 = arith.addi %mul3A_2, %mul3A_216 : i32
      %dma_wait3A_218 = arith.constant 0 : i32
      %dma_wait3A_219 = tpu.memref_slice %arg2[%add3A_217, %dma_wait3A_218] : memref<320000x128xf32, #tpu.memory_space<hbm>> -> memref<128x128xf32, #tpu.memory_space<hbm>>
      %dma_wait3A_220 = arith.constant 0 : i32
      %dma_wait3A_221 = tpu.memref_slice %arg2[%add3A_217, %dma_wait3A_220] : memref<320000x128xf32, #tpu.memory_space<hbm>> -> memref<128x128xf32, #tpu.memory_space<hbm>>
      tpu.wait_dma2 semaphore(%arg13 : memref<!tpu.dma_semaphore, #tpu.memory_space<semaphore_mem>>) src(%dma_wait3A_221 : memref<128x128xf32, #tpu.memory_space<hbm>>) dst(%arg6 : memref<128x128xf32, #tpu.memory_space<vmem>>)
      %dma_wait3A_222 = tpu.memref_slice %arg3[%add3A_217] : memref<320000xi32, #tpu.memory_space<hbm>> -> memref<128xi32, #tpu.memory_space<hbm>>
      %dma_wait3A_223 = tpu.memref_slice %arg3[%add3A_217] : memref<320000xi32, #tpu.memory_space<hbm>> -> memref<128xi32, #tpu.memory_space<hbm>>
      tpu.wait_dma2 semaphore(%arg14 : memref<!tpu.dma_semaphore, #tpu.memory_space<semaphore_mem>>) src(%dma_wait3A_223 : memref<128xi32, #tpu.memory_space<hbm>>) dst(%arg7 : memref<128xi32, #tpu.memory_space<vmem>>)
      %dma_wait3A_224 = arith.constant 0 : i32
      %dma_wait3A_225 = arith.constant 0 : i32
      %dma_wait3A_226 = tpu.memref_slice %arg5[%dma_wait3A_224, %dma_wait3A_225] : memref<10000x128xf32, #tpu.memory_space<vmem_shared>> -> memref<10000x128xf32, #tpu.memory_space<vmem_shared>>
      tpu.wait_indirect_dma semaphore(%arg21 : memref<!tpu.dma_semaphore, #tpu.memory_space<semaphore_mem>>) src(%arg10 : memref<128x128xf32, #tpu.memory_space<vmem>>) dst(%dma_wait3A_226 : memref<10000x128xf32, #tpu.memory_space<vmem_shared>>)
      %add3A_227 = arith.constant 2 : i32
      %add3A_228 = arith.addi %add3A_214, %add3A_227 : i32
      %mul3A_229 = arith.constant 128 : i32
      %mul3A_230 = arith.muli %add3A_228, %mul3A_229 : i32
      %add3A_231 = arith.addi %mul3A_2, %mul3A_230 : i32
      %dma_start3A_232 = arith.constant 0 : i32
      %dma_start3A_233 = tpu.memref_slice %arg2[%add3A_231, %dma_start3A_232] : memref<320000x128xf32, #tpu.memory_space<hbm>> -> memref<128x128xf32, #tpu.memory_space<hbm>>
      %dma_start3A_234 = arith.constant 0 : i32
      %dma_start3A_235 = tpu.memref_slice %arg2[%add3A_231, %dma_start3A_234] : memref<320000x128xf32, #tpu.memory_space<hbm>> -> memref<128x128xf32, #tpu.memory_space<hbm>>
      tpu.enqueue_dma source(%dma_start3A_235 : memref<128x128xf32, #tpu.memory_space<hbm>>) target(%arg10 : memref<128x128xf32, #tpu.memory_space<vmem>>) target_semaphore(%arg17 : memref<!tpu.dma_semaphore, #tpu.memory_space<semaphore_mem>>)
      %dma_start3A_236 = tpu.memref_slice %arg3[%add3A_231] : memref<320000xi32, #tpu.memory_space<hbm>> -> memref<128xi32, #tpu.memory_space<hbm>>
      %dma_start3A_237 = tpu.memref_slice %arg3[%add3A_231] : memref<320000xi32, #tpu.memory_space<hbm>> -> memref<128xi32, #tpu.memory_space<hbm>>
      tpu.enqueue_dma source(%dma_start3A_237 : memref<128xi32, #tpu.memory_space<hbm>>) target(%arg11 : memref<128xi32, #tpu.memory_space<vmem>>) target_semaphore(%arg18 : memref<!tpu.dma_semaphore, #tpu.memory_space<semaphore_mem>>)
      %dma_start3A_238 = arith.constant 0 : i32
      %dma_start3A_239 = arith.constant 0 : i32
      %dma_start3A_240 = tpu.memref_slice %arg5[%dma_start3A_238, %dma_start3A_239] : memref<10000x128xf32, #tpu.memory_space<vmem_shared>> -> memref<10000x128xf32, #tpu.memory_space<vmem_shared>>
      tpu.enqueue_indirect_dma source(%arg6 : memref<128x128xf32, #tpu.memory_space<vmem>>) target(%dma_start3A_240 : memref<10000x128xf32, #tpu.memory_space<vmem_shared>>) offsets(%arg7 : memref<128xi32, #tpu.memory_space<vmem>>) semaphore(%arg19 : memref<!tpu.dma_semaphore, #tpu.memory_space<semaphore_mem>>) {add = true}
      %mul3A_241 = arith.constant 3 : i32
      %mul3A_242 = arith.muli %mul3A_241, %scan3A_179 : i32
      %add3A_243 = arith.constant 3 : i32
      %add3A_244 = arith.addi %mul3A_242, %add3A_243 : i32
      %mul3A_245 = arith.constant 128 : i32
      %mul3A_246 = arith.muli %add3A_244, %mul3A_245 : i32
      %add3A_247 = arith.addi %mul3A_2, %mul3A_246 : i32
      %dma_wait3A_248 = arith.constant 0 : i32
      %dma_wait3A_249 = tpu.memref_slice %arg2[%add3A_247, %dma_wait3A_248] : memref<320000x128xf32, #tpu.memory_space<hbm>> -> memref<128x128xf32, #tpu.memory_space<hbm>>
      %dma_wait3A_250 = arith.constant 0 : i32
      %dma_wait3A_251 = tpu.memref_slice %arg2[%add3A_247, %dma_wait3A_250] : memref<320000x128xf32, #tpu.memory_space<hbm>> -> memref<128x128xf32, #tpu.memory_space<hbm>>
      tpu.wait_dma2 semaphore(%arg15 : memref<!tpu.dma_semaphore, #tpu.memory_space<semaphore_mem>>) src(%dma_wait3A_251 : memref<128x128xf32, #tpu.memory_space<hbm>>) dst(%arg8 : memref<128x128xf32, #tpu.memory_space<vmem>>)
      %dma_wait3A_252 = tpu.memref_slice %arg3[%add3A_247] : memref<320000xi32, #tpu.memory_space<hbm>> -> memref<128xi32, #tpu.memory_space<hbm>>
      %dma_wait3A_253 = tpu.memref_slice %arg3[%add3A_247] : memref<320000xi32, #tpu.memory_space<hbm>> -> memref<128xi32, #tpu.memory_space<hbm>>
      tpu.wait_dma2 semaphore(%arg16 : memref<!tpu.dma_semaphore, #tpu.memory_space<semaphore_mem>>) src(%dma_wait3A_253 : memref<128xi32, #tpu.memory_space<hbm>>) dst(%arg9 : memref<128xi32, #tpu.memory_space<vmem>>)
      %dma_wait3A_254 = arith.constant 0 : i32
      %dma_wait3A_255 = arith.constant 0 : i32
      %dma_wait3A_256 = tpu.memref_slice %arg5[%dma_wait3A_254, %dma_wait3A_255] : memref<10000x128xf32, #tpu.memory_space<vmem_shared>> -> memref<10000x128xf32, #tpu.memory_space<vmem_shared>>
      tpu.wait_indirect_dma semaphore(%arg19 : memref<!tpu.dma_semaphore, #tpu.memory_space<semaphore_mem>>) src(%arg6 : memref<128x128xf32, #tpu.memory_space<vmem>>) dst(%dma_wait3A_256 : memref<10000x128xf32, #tpu.memory_space<vmem_shared>>)
      %add3A_257 = arith.constant 2 : i32
      %add3A_258 = arith.addi %add3A_244, %add3A_257 : i32
      %mul3A_259 = arith.constant 128 : i32
      %mul3A_260 = arith.muli %add3A_258, %mul3A_259 : i32
      %add3A_261 = arith.addi %mul3A_2, %mul3A_260 : i32
      %dma_start3A_262 = arith.constant 0 : i32
      %dma_start3A_263 = tpu.memref_slice %arg2[%add3A_261, %dma_start3A_262] : memref<320000x128xf32, #tpu.memory_space<hbm>> -> memref<128x128xf32, #tpu.memory_space<hbm>>
      %dma_start3A_264 = arith.constant 0 : i32
      %dma_start3A_265 = tpu.memref_slice %arg2[%add3A_261, %dma_start3A_264] : memref<320000x128xf32, #tpu.memory_space<hbm>> -> memref<128x128xf32, #tpu.memory_space<hbm>>
      tpu.enqueue_dma source(%dma_start3A_265 : memref<128x128xf32, #tpu.memory_space<hbm>>) target(%arg6 : memref<128x128xf32, #tpu.memory_space<vmem>>) target_semaphore(%arg13 : memref<!tpu.dma_semaphore, #tpu.memory_space<semaphore_mem>>)
      %dma_start3A_266 = tpu.memref_slice %arg3[%add3A_261] : memref<320000xi32, #tpu.memory_space<hbm>> -> memref<128xi32, #tpu.memory_space<hbm>>
      %dma_start3A_267 = tpu.memref_slice %arg3[%add3A_261] : memref<320000xi32, #tpu.memory_space<hbm>> -> memref<128xi32, #tpu.memory_space<hbm>>
      tpu.enqueue_dma source(%dma_start3A_267 : memref<128xi32, #tpu.memory_space<hbm>>) target(%arg7 : memref<128xi32, #tpu.memory_space<vmem>>) target_semaphore(%arg14 : memref<!tpu.dma_semaphore, #tpu.memory_space<semaphore_mem>>)
      %dma_start3A_268 = arith.constant 0 : i32
      %dma_start3A_269 = arith.constant 0 : i32
      %dma_start3A_270 = tpu.memref_slice %arg5[%dma_start3A_268, %dma_start3A_269] : memref<10000x128xf32, #tpu.memory_space<vmem_shared>> -> memref<10000x128xf32, #tpu.memory_space<vmem_shared>>
      tpu.enqueue_indirect_dma source(%arg8 : memref<128x128xf32, #tpu.memory_space<vmem>>) target(%dma_start3A_270 : memref<10000x128xf32, #tpu.memory_space<vmem_shared>>) offsets(%arg9 : memref<128xi32, #tpu.memory_space<vmem>>) semaphore(%arg20 : memref<!tpu.dma_semaphore, #tpu.memory_space<semaphore_mem>>) {add = true}
      %scan3A_271 = arith.constant 0 : i32
      scf.yield %scan3A_271 : i32
    }
    %scan3A_115 = arith.constant 25 : i32
    %add3A_116 = arith.constant 9984 : i32
    %add3A_117 = arith.addi %mul3A_2, %add3A_116 : i32
    %add3A_118 = arith.constant 9728 : i32
    %add3A_119 = arith.addi %mul3A_2, %add3A_118 : i32
    %dma_wait3A_120 = arith.constant 0 : i32
    %dma_wait3A_121 = tpu.memref_slice %arg2[%add3A_119, %dma_wait3A_120] : memref<320000x128xf32, #tpu.memory_space<hbm>> -> memref<128x128xf32, #tpu.memory_space<hbm>>
    %dma_wait3A_122 = arith.constant 0 : i32
    %dma_wait3A_123 = tpu.memref_slice %arg2[%add3A_119, %dma_wait3A_122] : memref<320000x128xf32, #tpu.memory_space<hbm>> -> memref<128x128xf32, #tpu.memory_space<hbm>>
    tpu.wait_dma2 semaphore(%arg17 : memref<!tpu.dma_semaphore, #tpu.memory_space<semaphore_mem>>) src(%dma_wait3A_123 : memref<128x128xf32, #tpu.memory_space<hbm>>) dst(%arg10 : memref<128x128xf32, #tpu.memory_space<vmem>>)
    %dma_wait3A_124 = tpu.memref_slice %arg3[%add3A_119] : memref<320000xi32, #tpu.memory_space<hbm>> -> memref<128xi32, #tpu.memory_space<hbm>>
    %dma_wait3A_125 = tpu.memref_slice %arg3[%add3A_119] : memref<320000xi32, #tpu.memory_space<hbm>> -> memref<128xi32, #tpu.memory_space<hbm>>
    tpu.wait_dma2 semaphore(%arg18 : memref<!tpu.dma_semaphore, #tpu.memory_space<semaphore_mem>>) src(%dma_wait3A_125 : memref<128xi32, #tpu.memory_space<hbm>>) dst(%arg11 : memref<128xi32, #tpu.memory_space<vmem>>)
    %dma_wait3A_126 = arith.constant 0 : i32
    %dma_wait3A_127 = arith.constant 0 : i32
    %dma_wait3A_128 = tpu.memref_slice %arg5[%dma_wait3A_126, %dma_wait3A_127] : memref<10000x128xf32, #tpu.memory_space<vmem_shared>> -> memref<10000x128xf32, #tpu.memory_space<vmem_shared>>
    tpu.wait_indirect_dma semaphore(%arg20 : memref<!tpu.dma_semaphore, #tpu.memory_space<semaphore_mem>>) src(%arg8 : memref<128x128xf32, #tpu.memory_space<vmem>>) dst(%dma_wait3A_128 : memref<10000x128xf32, #tpu.memory_space<vmem_shared>>)
    %dma_start3A_129 = arith.constant 0 : i32
    %dma_start3A_130 = arith.constant 0 : i32
    %dma_start3A_131 = tpu.memref_slice %arg8[%dma_start3A_129, %dma_start3A_130] : memref<128x128xf32, #tpu.memory_space<vmem>> -> memref<16x128xf32, #tpu.memory_space<vmem>>
    %dma_start3A_132 = arith.constant 0 : i32
    %dma_start3A_133 = tpu.memref_slice %arg2[%add3A_117, %dma_start3A_132] : memref<320000x128xf32, #tpu.memory_space<hbm>> -> memref<16x128xf32, #tpu.memory_space<hbm>>
    %dma_start3A_134 = arith.constant 0 : i32
    %dma_start3A_135 = arith.constant 0 : i32
    %dma_start3A_136 = tpu.memref_slice %arg8[%dma_start3A_134, %dma_start3A_135] : memref<128x128xf32, #tpu.memory_space<vmem>> -> memref<16x128xf32, #tpu.memory_space<vmem>>
    %dma_start3A_137 = arith.constant 0 : i32
    %dma_start3A_138 = tpu.memref_slice %arg2[%add3A_117, %dma_start3A_137] : memref<320000x128xf32, #tpu.memory_space<hbm>> -> memref<16x128xf32, #tpu.memory_space<hbm>>
    tpu.enqueue_dma source(%dma_start3A_138 : memref<16x128xf32, #tpu.memory_space<hbm>>) target(%dma_start3A_136 : memref<16x128xf32, #tpu.memory_space<vmem>>) target_semaphore(%arg15 : memref<!tpu.dma_semaphore, #tpu.memory_space<semaphore_mem>>)
    %dma_start3A_139 = tpu.memref_slice %arg3[%add3A_117] : memref<320000xi32, #tpu.memory_space<hbm>> -> memref<16xi32, #tpu.memory_space<hbm>>
    %dma_start3A_140 = tpu.memref_slice %arg3[%add3A_117] : memref<320000xi32, #tpu.memory_space<hbm>> -> memref<16xi32, #tpu.memory_space<hbm>>
    tpu.enqueue_dma source(%dma_start3A_140 : memref<16xi32, #tpu.memory_space<hbm>>) target(%arg12 : memref<16xi32, #tpu.memory_space<vmem>>) target_semaphore(%arg16 : memref<!tpu.dma_semaphore, #tpu.memory_space<semaphore_mem>>)
    %dma_start3A_141 = arith.constant 0 : i32
    %dma_start3A_142 = arith.constant 0 : i32
    %dma_start3A_143 = tpu.memref_slice %arg5[%dma_start3A_141, %dma_start3A_142] : memref<10000x128xf32, #tpu.memory_space<vmem_shared>> -> memref<10000x128xf32, #tpu.memory_space<vmem_shared>>
    tpu.enqueue_indirect_dma source(%arg10 : memref<128x128xf32, #tpu.memory_space<vmem>>) target(%dma_start3A_143 : memref<10000x128xf32, #tpu.memory_space<vmem_shared>>) offsets(%arg11 : memref<128xi32, #tpu.memory_space<vmem>>) semaphore(%arg21 : memref<!tpu.dma_semaphore, #tpu.memory_space<semaphore_mem>>) {add = true}
    %add3A_144 = arith.constant 9856 : i32
    %add3A_145 = arith.addi %mul3A_2, %add3A_144 : i32
    %dma_wait3A_146 = arith.constant 0 : i32
    %dma_wait3A_147 = tpu.memref_slice %arg2[%add3A_145, %dma_wait3A_146] : memref<320000x128xf32, #tpu.memory_space<hbm>> -> memref<128x128xf32, #tpu.memory_space<hbm>>
    %dma_wait3A_148 = arith.constant 0 : i32
    %dma_wait3A_149 = tpu.memref_slice %arg2[%add3A_145, %dma_wait3A_148] : memref<320000x128xf32, #tpu.memory_space<hbm>> -> memref<128x128xf32, #tpu.memory_space<hbm>>
    tpu.wait_dma2 semaphore(%arg13 : memref<!tpu.dma_semaphore, #tpu.memory_space<semaphore_mem>>) src(%dma_wait3A_149 : memref<128x128xf32, #tpu.memory_space<hbm>>) dst(%arg6 : memref<128x128xf32, #tpu.memory_space<vmem>>)
    %dma_wait3A_150 = tpu.memref_slice %arg3[%add3A_145] : memref<320000xi32, #tpu.memory_space<hbm>> -> memref<128xi32, #tpu.memory_space<hbm>>
    %dma_wait3A_151 = tpu.memref_slice %arg3[%add3A_145] : memref<320000xi32, #tpu.memory_space<hbm>> -> memref<128xi32, #tpu.memory_space<hbm>>
    tpu.wait_dma2 semaphore(%arg14 : memref<!tpu.dma_semaphore, #tpu.memory_space<semaphore_mem>>) src(%dma_wait3A_151 : memref<128xi32, #tpu.memory_space<hbm>>) dst(%arg7 : memref<128xi32, #tpu.memory_space<vmem>>)
    %dma_wait3A_152 = arith.constant 0 : i32
    %dma_wait3A_153 = arith.constant 0 : i32
    %dma_wait3A_154 = tpu.memref_slice %arg5[%dma_wait3A_152, %dma_wait3A_153] : memref<10000x128xf32, #tpu.memory_space<vmem_shared>> -> memref<10000x128xf32, #tpu.memory_space<vmem_shared>>
    tpu.wait_indirect_dma semaphore(%arg21 : memref<!tpu.dma_semaphore, #tpu.memory_space<semaphore_mem>>) src(%arg10 : memref<128x128xf32, #tpu.memory_space<vmem>>) dst(%dma_wait3A_154 : memref<10000x128xf32, #tpu.memory_space<vmem_shared>>)
    %dma_start3A_155 = arith.constant 0 : i32
    %dma_start3A_156 = arith.constant 0 : i32
    %dma_start3A_157 = tpu.memref_slice %arg5[%dma_start3A_155, %dma_start3A_156] : memref<10000x128xf32, #tpu.memory_space<vmem_shared>> -> memref<10000x128xf32, #tpu.memory_space<vmem_shared>>
    tpu.enqueue_indirect_dma source(%arg6 : memref<128x128xf32, #tpu.memory_space<vmem>>) target(%dma_start3A_157 : memref<10000x128xf32, #tpu.memory_space<vmem_shared>>) offsets(%arg7 : memref<128xi32, #tpu.memory_space<vmem>>) semaphore(%arg19 : memref<!tpu.dma_semaphore, #tpu.memory_space<semaphore_mem>>) {add = true}
    %dma_wait3A_158 = arith.constant 0 : i32
    %dma_wait3A_159 = arith.constant 0 : i32
    %dma_wait3A_160 = tpu.memref_slice %arg5[%dma_wait3A_158, %dma_wait3A_159] : memref<10000x128xf32, #tpu.memory_space<vmem_shared>> -> memref<10000x128xf32, #tpu.memory_space<vmem_shared>>
    tpu.wait_indirect_dma semaphore(%arg19 : memref<!tpu.dma_semaphore, #tpu.memory_space<semaphore_mem>>) src(%arg6 : memref<128x128xf32, #tpu.memory_space<vmem>>) dst(%dma_wait3A_160 : memref<10000x128xf32, #tpu.memory_space<vmem_shared>>)
    %dma_wait3A_161 = arith.constant 0 : i32
    %dma_wait3A_162 = arith.constant 0 : i32
    %dma_wait3A_163 = tpu.memref_slice %arg8[%dma_wait3A_161, %dma_wait3A_162] : memref<128x128xf32, #tpu.memory_space<vmem>> -> memref<16x128xf32, #tpu.memory_space<vmem>>
    %dma_wait3A_164 = arith.constant 0 : i32
    %dma_wait3A_165 = tpu.memref_slice %arg2[%add3A_117, %dma_wait3A_164] : memref<320000x128xf32, #tpu.memory_space<hbm>> -> memref<16x128xf32, #tpu.memory_space<hbm>>
    %dma_wait3A_166 = arith.constant 0 : i32
    %dma_wait3A_167 = arith.constant 0 : i32
    %dma_wait3A_168 = tpu.memref_slice %arg8[%dma_wait3A_166, %dma_wait3A_167] : memref<128x128xf32, #tpu.memory_space<vmem>> -> memref<16x128xf32, #tpu.memory_space<vmem>>
    %dma_wait3A_169 = arith.constant 0 : i32
    %dma_wait3A_170 = tpu.memref_slice %arg2[%add3A_117, %dma_wait3A_169] : memref<320000x128xf32, #tpu.memory_space<hbm>> -> memref<16x128xf32, #tpu.memory_space<hbm>>
    tpu.wait_dma2 semaphore(%arg15 : memref<!tpu.dma_semaphore, #tpu.memory_space<semaphore_mem>>) src(%dma_wait3A_170 : memref<16x128xf32, #tpu.memory_space<hbm>>) dst(%dma_wait3A_168 : memref<16x128xf32, #tpu.memory_space<vmem>>)
    %dma_wait3A_171 = tpu.memref_slice %arg3[%add3A_117] : memref<320000xi32, #tpu.memory_space<hbm>> -> memref<16xi32, #tpu.memory_space<hbm>>
    %dma_wait3A_172 = tpu.memref_slice %arg3[%add3A_117] : memref<320000xi32, #tpu.memory_space<hbm>> -> memref<16xi32, #tpu.memory_space<hbm>>
    tpu.wait_dma2 semaphore(%arg16 : memref<!tpu.dma_semaphore, #tpu.memory_space<semaphore_mem>>) src(%dma_wait3A_172 : memref<16xi32, #tpu.memory_space<hbm>>) dst(%arg12 : memref<16xi32, #tpu.memory_space<vmem>>)
    "tpu.region"() ({
      %run_scoped3A = tpu.sem_alloc : memref<!tpu.dma_semaphore, #tpu.memory_space<semaphore_mem>>
      %dma_start3A_179 = arith.constant 0 : i32
      %dma_start3A_180 = arith.constant 0 : i32
      %dma_start3A_181 = tpu.memref_slice %arg8[%dma_start3A_179, %dma_start3A_180] : memref<128x128xf32, #tpu.memory_space<vmem>> -> memref<16x128xf32, #tpu.memory_space<vmem>>
      %dma_start3A_182 = arith.constant 0 : i32
      %dma_start3A_183 = arith.constant 0 : i32
      %dma_start3A_184 = tpu.memref_slice %arg5[%dma_start3A_182, %dma_start3A_183] : memref<10000x128xf32, #tpu.memory_space<vmem_shared>> -> memref<10000x128xf32, #tpu.memory_space<vmem_shared>>
      tpu.enqueue_indirect_dma source(%dma_start3A_181 : memref<16x128xf32, #tpu.memory_space<vmem>>) target(%dma_start3A_184 : memref<10000x128xf32, #tpu.memory_space<vmem_shared>>) offsets(%arg12 : memref<16xi32, #tpu.memory_space<vmem>>) semaphore(%run_scoped3A : memref<!tpu.dma_semaphore, #tpu.memory_space<semaphore_mem>>) {add = true}
      %dma_wait3A_185 = arith.constant 0 : i32
      %dma_wait3A_186 = arith.constant 0 : i32
      %dma_wait3A_187 = tpu.memref_slice %arg8[%dma_wait3A_185, %dma_wait3A_186] : memref<128x128xf32, #tpu.memory_space<vmem>> -> memref<16x128xf32, #tpu.memory_space<vmem>>
      %dma_wait3A_188 = arith.constant 0 : i32
      %dma_wait3A_189 = arith.constant 0 : i32
      %dma_wait3A_190 = tpu.memref_slice %arg5[%dma_wait3A_188, %dma_wait3A_189] : memref<10000x128xf32, #tpu.memory_space<vmem_shared>> -> memref<10000x128xf32, #tpu.memory_space<vmem_shared>>
      tpu.wait_indirect_dma semaphore(%run_scoped3A : memref<!tpu.dma_semaphore, #tpu.memory_space<semaphore_mem>>) src(%dma_wait3A_187 : memref<16x128xf32, #tpu.memory_space<vmem>>) dst(%dma_wait3A_190 : memref<10000x128xf32, #tpu.memory_space<vmem_shared>>)
      tpu.yield
    }) : () -> ()
    %barrier3A_173 = arith.constant 0 : index
    tpu.barrier barrier_id(%barrier3A_173)
    "tpu.region"() ({
      %run_scoped3A = tpu.sem_alloc : memref<!tpu.dma_semaphore, #tpu.memory_space<semaphore_mem>>
      %dma_start3A_179 = arith.constant 0 : i32
      %dma_start3A_180 = tpu.memref_slice %arg4[%arg0, %mul3A_26, %dma_start3A_179] : memref<2x10000x128xf32, #tpu.memory_space<hbm>> -> memref<1x624x128xf32, #tpu.memory_space<hbm>>
      %dma_start3A_181 = tpu.memref_squeeze %dma_start3A_180 : memref<1x624x128xf32, #tpu.memory_space<hbm>> -> memref<624x128xf32, #tpu.memory_space<hbm>>
      %dma_start3A_182 = arith.constant 0 : i32
      %dma_start3A_183 = tpu.memref_slice %arg5[%mul3A_26, %dma_start3A_182] : memref<10000x128xf32, #tpu.memory_space<vmem_shared>> -> memref<624x128xf32, #tpu.memory_space<vmem_shared>>
      tpu.enqueue_dma source(%dma_start3A_183 : memref<624x128xf32, #tpu.memory_space<vmem_shared>>) target(%dma_start3A_181 : memref<624x128xf32, #tpu.memory_space<hbm>>) target_semaphore(%run_scoped3A : memref<!tpu.dma_semaphore, #tpu.memory_space<semaphore_mem>>)
      %dma_wait3A_184 = arith.constant 0 : i32
      %dma_wait3A_185 = tpu.memref_slice %arg4[%arg0, %mul3A_26, %dma_wait3A_184] : memref<2x10000x128xf32, #tpu.memory_space<hbm>> -> memref<1x624x128xf32, #tpu.memory_space<hbm>>
      %dma_wait3A_186 = tpu.memref_squeeze %dma_wait3A_185 : memref<1x624x128xf32, #tpu.memory_space<hbm>> -> memref<624x128xf32, #tpu.memory_space<hbm>>
      %dma_wait3A_187 = arith.constant 0 : i32
      %dma_wait3A_188 = tpu.memref_slice %arg5[%mul3A_26, %dma_wait3A_187] : memref<10000x128xf32, #tpu.memory_space<vmem_shared>> -> memref<624x128xf32, #tpu.memory_space<vmem_shared>>
      tpu.wait_dma2 semaphore(%run_scoped3A : memref<!tpu.dma_semaphore, #tpu.memory_space<semaphore_mem>>) src(%dma_wait3A_188 : memref<624x128xf32, #tpu.memory_space<vmem_shared>>) dst(%dma_wait3A_186 : memref<624x128xf32, #tpu.memory_space<hbm>>)
      tpu.yield
    }) : () -> ()
    %eq3A_174 = arith.constant 15 : i32
    %eq3A_175 = arith.cmpi eq, %arg1, %eq3A_174 : i32
    %convert_element_type3A_176 = arith.extui %eq3A_175 : i1 to i32
    %cond3A_177 = arith.constant 0 : i32
    %cond3A_178 = arith.cmpi ne, %convert_element_type3A_176, %cond3A_177 : i32
    scf.if %cond3A_178 {
      "tpu.region"() ({
        %run_scoped3A = tpu.sem_alloc : memref<!tpu.dma_semaphore, #tpu.memory_space<semaphore_mem>>
        %dma_start3A_179 = arith.constant 9984 : i32
        %dma_start3A_180 = arith.constant 0 : i32
        %dma_start3A_181 = tpu.memref_slice %arg4[%arg0, %dma_start3A_179, %dma_start3A_180] : memref<2x10000x128xf32, #tpu.memory_space<hbm>> -> memref<1x16x128xf32, #tpu.memory_space<hbm>>
        %dma_start3A_182 = tpu.memref_squeeze %dma_start3A_181 : memref<1x16x128xf32, #tpu.memory_space<hbm>> -> memref<16x128xf32, #tpu.memory_space<hbm>>
        %dma_start3A_183 = arith.constant 9984 : i32
        %dma_start3A_184 = arith.constant 0 : i32
        %dma_start3A_185 = tpu.memref_slice %arg5[%dma_start3A_183, %dma_start3A_184] : memref<10000x128xf32, #tpu.memory_space<vmem_shared>> -> memref<16x128xf32, #tpu.memory_space<vmem_shared>>
        tpu.enqueue_dma source(%dma_start3A_185 : memref<16x128xf32, #tpu.memory_space<vmem_shared>>) target(%dma_start3A_182 : memref<16x128xf32, #tpu.memory_space<hbm>>) target_semaphore(%run_scoped3A : memref<!tpu.dma_semaphore, #tpu.memory_space<semaphore_mem>>)
        %dma_wait3A_186 = arith.constant 9984 : i32
        %dma_wait3A_187 = arith.constant 0 : i32
        %dma_wait3A_188 = tpu.memref_slice %arg4[%arg0, %dma_wait3A_186, %dma_wait3A_187] : memref<2x10000x128xf32, #tpu.memory_space<hbm>> -> memref<1x16x128xf32, #tpu.memory_space<hbm>>
        %dma_wait3A_189 = tpu.memref_squeeze %dma_wait3A_188 : memref<1x16x128xf32, #tpu.memory_space<hbm>> -> memref<16x128xf32, #tpu.memory_space<hbm>>
        %dma_wait3A_190 = arith.constant 9984 : i32
        %dma_wait3A_191 = arith.constant 0 : i32
        %dma_wait3A_192 = tpu.memref_slice %arg5[%dma_wait3A_190, %dma_wait3A_191] : memref<10000x128xf32, #tpu.memory_space<vmem_shared>> -> memref<16x128xf32, #tpu.memory_space<vmem_shared>>
        tpu.wait_dma2 semaphore(%run_scoped3A : memref<!tpu.dma_semaphore, #tpu.memory_space<semaphore_mem>>) src(%dma_wait3A_192 : memref<16x128xf32, #tpu.memory_space<vmem_shared>>) dst(%dma_wait3A_189 : memref<16x128xf32, #tpu.memory_space<hbm>>)
        tpu.yield
      }) : () -> ()
    } else {
    }
    return
  }
}

module attributes {stable_mosaic.version = 14 : i64} {
  func.func @_combine_body(%arg0: i32, %arg1: memref<2x5000x128xf32, #tpu.memory_space<vmem>>, %arg2: memref<5000x128xf32, #tpu.memory_space<vmem>>) attributes {dimension_semantics = [#tpu.dimension_semantics<arbitrary>], iteration_bounds = array<i64: 2>, scalar_prefetch = 0 : i64, scratch_operands = 0 : i64, tpu.core_type = #tpu.core_type<tc>, window_params = [{transform_indices = @transform_0, window_bounds = array<i64: 2, 5000, 128>}, {transform_indices = @transform_1, window_bounds = array<i64: 5000, 128>}]} {
    %get3A = arith.constant 0 : index
    %get3A_0 = arith.constant 0 : index
    %get3A_1 = arith.constant 0 : index
    %get3A_2 = vector.load %arg1[%get3A, %get3A_0, %get3A_1] : memref<2x5000x128xf32, #tpu.memory_space<vmem>>, vector<1x5000x128xf32>
    %get3A_3 = vector.shape_cast %get3A_2 : vector<1x5000x128xf32> to vector<5000x128xf32>
    %get3A_4 = arith.constant 1 : index
    %get3A_5 = arith.constant 0 : index
    %get3A_6 = arith.constant 0 : index
    %get3A_7 = vector.load %arg1[%get3A_4, %get3A_5, %get3A_6] : memref<2x5000x128xf32, #tpu.memory_space<vmem>>, vector<1x5000x128xf32>
    %get3A_8 = vector.shape_cast %get3A_7 : vector<1x5000x128xf32> to vector<5000x128xf32>
    %add3A = arith.addf %get3A_3, %get3A_8 : vector<5000x128xf32>
    %swap3A = arith.constant 0 : index
    %swap3A_9 = arith.constant 0 : index
    %swap3A_10 = vector.load %arg2[%swap3A, %swap3A_9] : memref<5000x128xf32, #tpu.memory_space<vmem>>, vector<5000x128xf32>
    tpu.vector_store %arg2[%swap3A, %swap3A_9], %add3A {strides = array<i32>} : memref<5000x128xf32, #tpu.memory_space<vmem>>, vector<5000x128xf32>,
    return
  }
  func.func @transform_0(%arg0: i32) -> (i32, i32, i32) {
    %c0_i32 = arith.constant 0 : i32
    %c0_i32_0 = arith.constant 0 : i32
    %c0_i32_1 = arith.constant 0 : i32
    return %c0_i32, %arg0, %c0_i32_0 : i32, i32, i32
  }
  func.func @transform_1(%arg0: i32) -> (i32, i32) {
    %c0_i32 = arith.constant 0 : i32
    %c0_i32_0 = arith.constant 0 : i32
    return %arg0, %c0_i32 : i32, i32
  }
}

</mosaic_0001>

<sc_bundles>
// kernel: kernel.4.cloned.1.call-start
scs
__scs_entry_jumppad:
0x0: {  	(pc) =	sbr.rel $0x88, $3  }
0x1: {  	(tag) =	ssettag $0x0;
	lr =	simm.s32 $0x1  }
0x2: {  	[smem:$0x3F9F] =	sst lr;
	_ =	strace $0xD0000000  }
0x3: {  	_ = 	snop  }
0x4: {  	_ = 	snop  }
0x5: {  	_ = 	snop  }
0x6: {  	_ = 	snop  }
0x7: {  	_ = 	snop  }
__scs_overlays_trampoline_lowered:
0x8: {  	[smem:$0x3FAE] =	sst s0  }
0x9: {  	[smem:$0x3FAF] =	sst s1  }
0xa: {  	[smem:$0x3FB0] =	sst s2  }
0xb: {  	[smem:$0x3FB1] =	sst s3  }
0xc: {  	[smem:$0x3FB2] =	sst s4  }
0xd: {  	[smem:$0x3FB3] =	sst s5  }
0xe: {  	[smem:$0x3FB4] =	sst s6  }
0xf: {  	[smem:$0x3FB5] =	sst s7  }
0x10: {  	[smem:$0x3FB6] =	sst s8  }
0x11: {  	[smem:$0x3FB7] =	sst s9;
	s0 =	simm.s32 @!p0 $0x0  }
0x12: {  	s1 =	sld [smem:$0x3F9D];
	s0 =	simm.s32 @p0 $0x1  }
0x13: {  	[smem:$0x3FB8] =	sst s0;
	s0 =	simm.s32 @!p1 $0x0  }
0x14: {  	s2 =	sld [smem:$0x3F9C];
	s0 =	simm.s32 @p1 $0x1  }
0x15: {  	[smem:$0x3FB9] =	sst s0;
	s0 =	simm.s32 @!p2 $0x0  }
0x16: {  	s3 =	sld [smem:$0x3FDB];
	s0 =	simm.s32 @p2 $0x1  }
0x17: {  	s4 =	simm.s32 $0x1BF5;
	[smem:$0x3FBB] =	sst s0  }
0x18: {  	s0 =	sld [smem:$0x3F9E];
	_ =	swait.ge [sflag:s4], $0x0  }
0x19: {  	s7 =	sld [smem:$0x3F9F]  }
0x1a: {  	s8 =	sadd.s32 $0xFFFFE003, lr  }
0x1b: {  	s9 =	sadd.s32 $0xFFFFFEF7, lr;
	s5 =	simm.s32 $0xFFFFFFFF;
	p2 =	slt.u32 s8, $0xFFFFF086  }
0x1c: {  	p1 =	slt.u32 s9, $0xF7A;
	s5 =	simm.s32 @!p2 $0x0  }
0x1d: {  	s5 =	simm.s32 @p1 $0x1;
	p0 =	seq.s32 s7, s2  }
0x1e: {  	s7 =	smul.u32 @!p0 $0xF7A, s2;
	p2 =	seq.s32 @!p0 s5, $0x0  }
0x1f: {  	s9 =	smul.u32 $0xF7A, s1;
	s8 =	simm.s32 @!p0 $0x1BF5;
	p2 =	por !p2, p0  }
0x20: {  	[sflag:s8] =	ssyncset.s32 @!p0 $0xFFFFF086;
	s6 =	sadd.s32 @!p0 s3, s7;
	s7 =	simm.s32 @!p0 $0x108  }
0x21: {  	s3 =	sadd.s32 s3, s9;
	s6 =	sadd.s32 @!p0 $0x88, s6;
	s7 =	simm.s32 @p2 $0x1082  }
0x22: {  	[simem:s7], [sflag:s8] =	dma.local @!p0 [hbm:s6], $0xF7A  }
0x23: {  	s9 =	sor.u32 $0xD0000000, s2;
	s6 =	simm.s32 $0x108;
	_ =	swait.ge @!p0 [sflag:s8], $0x0  }
0x24: {  	s3 =	sadd.s32 $0x88, s3;
	s6 =	simm.s32 @!p1 $0x1082;
	[sflag:s4] =	ssyncset.s32 $0xFFFFF086  }
0x25: {  	[simem:s6], [sflag:s4] =	dma.local [hbm:s3], $0xF7A  }
0x26: {  	[smem:$0x3F9F] =	sst s1;
	(tag) =	ssettag s2;
	_ =	strace s9  }
0x27: {  	s1 =	sld [smem:$0x3FAF]  }
0x28: {  	s2 =	sld [smem:$0x3FB0]  }
0x29: {  	s4 =	sld [smem:$0x3FB2]  }
0x2a: {  	p0 =	seq.s32 s5, $0x0;
	s5 =	sld [smem:$0x3FB3]  }
0x2b: {  	s6 =	sld [smem:$0x3FB4]  }
0x2c: {  	s7 =	sld [smem:$0x3FB5]  }
0x2d: {  	s3 =	simm.s32 $0x108;
	s8 =	sld [smem:$0x3FB6]  }
0x2e: {  	s3 =	simm.s32 @!p0 $0x1082;
	s9 =	sld [smem:$0x3FB7]  }
0x2f: {  	lr =	sadd.s32 s0, s3;
	s0 =	sld [smem:$0x3FAE]  }
0x30: {  	s3 =	sld [smem:$0x3FB1]  }
0x31: {  	[smem:$0x3FBA] =	sst s10  }
0x32: {  	s10 =	sld [smem:$0x3FB8];
	_ =	sdelay $0x3  }
0x33: {  	p0 =	seq.s32 s10, $0x1;
	s10 =	sld [smem:$0x3FBA];
	_ =	sdelay $0x3  }
0x34: {  	[smem:$0x3FBA] =	sst s10  }
0x35: {  	s10 =	sld [smem:$0x3FB9];
	_ =	sdelay $0x3  }
0x36: {  	p1 =	seq.s32 s10, $0x1;
	s10 =	sld [smem:$0x3FBA];
	_ =	sdelay $0x3  }
0x37: {  	[smem:$0x3FBA] =	sst s10  }
0x38: {  	s10 =	sld [smem:$0x3FBB]  }
0x39: {  	_ = 	snop;
	(pc) =	sbr.ind lr, $3  }
0x3a: {  	_ = 	snop  }
0x3b: {  	_ = 	snop  }
0x3c: {  	p2 =	seq.s32 s10, $0x1;
	s10 =	sld [smem:$0x3FBA]  }
0x3d: {  	_ =	shalt  }
0x3e: {  	_ =	shalt  }
0x3f: {  	_ =	shalt  }
0x40: {  	_ =	shalt  }
0x41: {  	_ =	shalt  }
0x42: {  	_ =	shalt  }
0x43: {  	_ =	shalt  }
0x44: {  	_ =	shalt  }
0x45: {  	_ =	shalt  }
0x46: {  	_ =	shalt  }
0x47: {  	_ =	shalt  }
0x48: {  	_ =	shalt  }
0x49: {  	_ =	shalt  }
0x4a: {  	_ =	shalt  }
0x4b: {  	_ =	shalt  }
0x4c: {  	_ =	shalt  }
0x4d: {  	_ =	shalt  }
0x4e: {  	_ =	shalt  }
0x4f: {  	_ =	shalt  }
0x50: {  	_ =	shalt  }
0x51: {  	_ =	shalt  }
0x52: {  	_ =	shalt  }
0x53: {  	_ =	shalt  }
0x54: {  	_ =	shalt  }
0x55: {  	_ =	shalt  }
0x56: {  	_ =	shalt  }
0x57: {  	_ =	shalt  }
0x58: {  	_ =	shalt  }
0x59: {  	_ =	shalt  }
0x5a: {  	_ =	shalt  }
0x5b: {  	_ =	shalt  }
0x5c: {  	_ =	shalt  }
0x5d: {  	_ =	shalt  }
0x5e: {  	_ =	shalt  }
0x5f: {  	_ =	shalt  }
0x60: {  	_ =	shalt  }
0x61: {  	_ =	shalt  }
0x62: {  	_ =	shalt  }
0x63: {  	_ =	shalt  }
0x64: {  	_ =	shalt  }
0x65: {  	_ =	shalt  }
0x66: {  	_ =	shalt  }
0x67: {  	_ =	shalt  }
0x68: {  	_ =	shalt  }
0x69: {  	_ =	shalt  }
0x6a: {  	_ =	shalt  }
0x6b: {  	_ =	shalt  }
0x6c: {  	_ =	shalt  }
0x6d: {  	_ =	shalt  }
0x6e: {  	_ =	shalt  }
0x6f: {  	_ =	shalt  }
0x70: {  	_ =	shalt  }
0x71: {  	_ =	shalt  }
0x72: {  	_ =	shalt  }
0x73: {  	_ =	shalt  }
0x74: {  	_ =	shalt  }
0x75: {  	_ =	shalt  }
0x76: {  	_ =	shalt  }
0x77: {  	_ =	shalt  }
0x78: {  	_ =	shalt  }
0x79: {  	_ =	shalt  }
0x7a: {  	_ =	shalt  }
0x7b: {  	_ =	shalt  }
0x7c: {  	_ =	shalt  }
0x7d: {  	_ =	shalt  }
0x7e: {  	_ =	shalt  }
0x7f: {  	_ =	shalt  }
0x80: {  	_ =	shalt  }
0x81: {  	_ =	shalt  }
0x82: {  	_ =	shalt  }
0x83: {  	_ =	shalt  }
0x84: {  	_ =	shalt  }
0x85: {  	_ =	shalt  }
0x86: {  	_ =	shalt  }
0x87: {  	_ =	shalt  }
.Lfunc_end0:
.L_simem_size_0:
called_computation_lowered:
.L_overlay_start_0:
0x88: {  	s2 =	sld [smem:$0x3FD9]  }
0x89: {  	s3 =	sld [smem:$0x3FFE];
	_ =	sdelay $0x1  }
0x8a: {  	s1 =	srdreg.scid  }
0x8b: {  	s0 =	sand.u32 $0x1, s1  }
0x8c: {  	s17 =	sshll.u32 s0, $0xA;
	s2 =	sadd.s32 s3, s2  }
0x8d: {  	s2 =	sadd.s32 s2, s17  }
0x8e: {  	[smem:$0x3FC6] =	sst s2  }
0x8f: {  	_ = 	snop  }
0x90: {  	s2 =	sld [smem:$0x3FC9]  }
0x91: {  	s18 =	sld [smem:$0x3FC8];
	(tm) =	ssettm $0x1  }
0x92: {  	s4 =	sld [smem:$0x3FFB];
	_ =	sdelay $0x3  }
0x93: {  	_ =	strace s4  }
0x94: {  	s4 =	sld [smem:$0x3FFC];
	_ =	sdelay $0x3  }
0x95: {  	_ =	strace s4  }
0x96: {  	s4 =	sld [smem:$0x3FFD];
	_ =	sdelay $0x3  }
0x97: {  	_ =	strace s4  }
0x98: {  	_ =	strace $0x8FFFFFFF  }
0x99: {  	s19 =	sld [smem:$0x3FDB];
	_ =	sdelay $0x1  }
0x9a: {  	s5 =	simm.s32 $_scs_section_size  }
0x9b: {  	s6 =	simm.s32 $_size__tile_overlayer_lowered;
	s7 =	simm.s32 $_tile_overlayer_lowered  }
0x9c: {  	s22 =	simm.s32 $0x1BFF;
	s21 =	sshll.u32 s7, $0x1;
	s4 =	sadd.s32 s5, s19  }
0x9d: {  	s8 =	simm.s32 $0x0;
	s20 =	sshll.u32 s6, $0x1;
	s6 =	sadd.s32 s21, s4  }
0x9e: {  	[timem:s8], [sflag:s22] =	dma.local [hbm:s6], s20  }
0x9f: {  	_ =	swait.ge [sflag:s22], s20  }
0xa0: {  	s5 =	ssub.s32 $0x0, s20;
	[sflag:s22] =	ssyncset.done $0x0  }
0xa1: {  	[sflag:s22] =	ssyncadd.s32 s5;
	_ =	sdelay $0x1  }
0xa2: {  	s23 =	simm.s32 $0x1B8B  }
0xa3: {  	_ =	swait.ge [sflag:s23], $0x1  }
0xa4: {  	[sflag:s23] =	ssyncset.done $0x0  }
0xa5: {  	s25 =	simm.s32 $0x1B8E;
	s24 =	sld [smem:$0x3FFE];
	[sflag:s23] =	ssyncadd.s32 $0xFFFFFFFF  }
0xa6: {  	s26 =	simm.s32 $execute0_lowered;
	[smem:$0x3FD2] =	sst s25  }
0xa7: {  	s6 =	sshll.u32 s26, $0x1;
	_ =	strace $0x80000046;
	[dreg:$0x1] =	wrdreg $0xFFFFFFFF  }
0xa8: {  	s28 =	simm.s32 $_size_execute0_lowered;
	s4 =	sadd.s32 s4, s6;
	[dreg:$0x0] =	wrdreg $0x0  }
0xa9: {  	s6 =	sshll.u32 s28, $0x1;
	[dreg:$0x2] =	wrdreg s4  }
0xaa: {  	[dreg:$0x3] =	wrdreg s6  }
0xab: {  	[dreg:$0x4] =	wrdreg $0xC0  }
0xac: {  	_ =	task [dreg:s8], $0x5FFFF  }
0xad: {  	[dreg:$0x1] =	wrdreg $0xFFFFFFFF  }
0xae: {  	[dreg:$0x0] =	wrdreg $0x60  }
0xaf: {  	[dreg:$0x2] =	wrdreg s2  }
0xb0: {  	[dreg:$0x3] =	wrdreg s18  }
0xb1: {  	[dreg:$0x4] =	wrdreg s24  }
0xb2: {  	[dreg:$0x5] =	wrdreg $0x0  }
0xb3: {  	[dreg:$0x6] =	wrdreg $0x9  }
0xb4: {  	_ =	task.clear_ibuf [dreg:s8], $0x7FFFF;
	_ =	strace $0x90000046  }
0xb5: {  	s29 =	simm.s32 $0x9;
	_ =	strace $0x80000048  }
0xb6: {  	_ =	swait.ge [sflag:s29], $0x1  }
0xb7: {  	[sflag:s29] =	ssyncadd.s32 $0xFFFFFFFF  }
0xb8: {  	_ =	strace $0x90000048  }
0xb9: {  	_ =	sfence  }
0xba: {  	s30 =	sld [smem:$0x0];
	_ =	sdelay $0x2  }
0xbb: {  	s31 =	sshll.u32 s1, $0xD;
	s1 =	sshrl.u32 s1, $0x2  }
0xbc: {  	s3 =	sand.u32 $0x4000, s31;
	s1 =	sadd.s32 s1, s30  }
0xbd: {  	s0 =	sor.u32 s3, s0;
	s1 =	sshll.u32 s1, $0x11  }
0xbe: {  	s0 =	sor.u32 s1, s0  }
0xbf: {  	s0 =	sadd.s32 $0x8F2B, s0  }
0xc0: {  	[sflag:s0] =	ssyncadd.remote.s32 $0x1  }
0xc1: {  	_ =	sfence.sel $0xFFFF  }
0xc2: {  	[dreg:$0x0] =	wrdreg $0xFFFFFFFF;
	(pc) =	sbr.abs _section_cstart, $3  }
0xc3: {  	[dreg:$0x1] =	wrdreg $0xFFFFFFFF  }
0xc4: {  	_ =	task.clear_ibuf [dreg:s8], $0x2FFFF;
	_ =	strace $0x9FFFFFFF  }
0xc5: {  	(tm) =	ssettm $0x7FFFFFFF  }
tec
execute0_lowered:
.L_overlay_start_1:
0x0: {  	(tag) =	ssettag $0x1  }
0x1: {  	s0 =	rddreg [dreg:$0x0]  }
0x2: {  	s1 =	rddreg [dreg:$0x1]  }
0x3: {  	s3 =	rddreg [dreg:$0x2]  }
0x4: {  	s2 =	rddreg [dreg:$0x3];
	s4 =	srdreg.scid  }
0x5: {  	s14 =	stileid.u32;
	s28 =	simm.s32 $0x1B980;
	s29 =	simm.s32 $0x1F980  }
0x6: {  	s30 =	simm.s32 $0x13880;
	s31 =	simm.s32 $0x7;
	s5 =	sand.u32 $0x1, s4  }
0x7: {  	s4 =	simm.s32 $0x0;
	s3 =	sadd.s32 $0x600, s3;
	s10 =	smul.u32 $0x4E000, s14  }
0x8: {  	s13 =	smul.u32 $0x13800, s14;
	p0 =	sne.s32 s14, $0xF;
	s6 =	sshll.u32 s5, $0x4  }
0x9: {  	[smem:$0x7FF] =	sst s4;
	s7 =	ssub.s32 $0x2, s5;
	s11 =	smul.u32 $0x138800, s5  }
0xa: {  	s6 =	sor.u32 s14, s6;
	_ =	strace $0x80000047;
	s10 =	sshrl.u32 s10, $0x2  }
0xb: {  	s9 =	sshrl.u32 s7, $0x1;
	s8 =	smul.u32 $0x2710, s6;
	s15 =	sadd.s32 s10, s2  }
0xc: {  	s6 =	smul.u32 $0x27100, s6;
	s7 =	ssub.s32 s7, s9;
	s20 =	sadd.s32 $0x4000, s15  }
0xd: {  	s21 =	sadd.s32 $0x8000, s15;
	s22 =	sadd.s32 $0xC000, s15;
	[dreg:$0xa] =	wrdreg s20  }
0xe: {  	s23 =	sadd.s32 $0x10000, s15;
	s16 =	sshrl.u32 s8, $0x3;
	[dreg:$0xb] =	wrdreg s21  }
0xf: {  	s6 =	sadd.s32 s0, s6;
	s18 =	sadd.s32 $0x80, s8;
	[dreg:$0xc] =	wrdreg s22  }
0x10: {  	[dreg:$0xd] =	wrdreg s23;
	s20 =	sadd.s32 $0x138000, s2;
	s24 =	sadd.s32 $0x100, s8  }
0x11: {  	s8 =	sadd.s32 $0x2700, s8;
	s21 =	smax.u32 s7, $0x1;
	s7 =	simm.s32 $0x5  }
0x12: {  	[dreg:$0x6] =	wrdreg s6;
	s17 =	sadd.s32 s1, s16;
	s19 =	sshll.u32 s18, $0x4  }
0x13: {  	s6 =	sshrl.u32 s18, $0x3;
	s25 =	sshll.u32 s24, $0x4;
	s12 =	sshll.u32 s8, $0x4  }
0x14: {  	s16 =	sadd.s32 s13, s11;
	s11 =	sshrl.u32 s11, $0x3;
	[dreg:$0x14] =	wrdreg s21  }
0x15: {  	s18 =	smul.u32 $0x2710, s14;
	s13 =	simm.s32 $0x9;
	[dreg:$0x7] =	wrdreg s17  }
0x16: {  	s9 =	sadd.s32 s0, s19;
	s6 =	sadd.s32 s1, s6;
	s26 =	sadd.s32 s0, s25  }
0x17: {  	s10 =	sadd.s32 s0, s12;
	s17 =	smul.u32 $0x271000, s5;
	[dreg:$0x8] =	wrdreg s9  }
0x18: {  	s12 =	sshrl.u32 s8, $0x3;
	s5 =	smul.u32 $0x27100, s5;
	[dreg:$0x9] =	wrdreg s6  }
0x19: {  	s8 =	sshrl.u32 s16, $0x3;
	s19 =	smul.u32 $0x27100, s14;
	[dreg:$0xe] =	wrdreg s26  }
0x1a: {  	s16 =	simm.s32 $0xA;
	s6 =	sshrl.u32 s24, $0x3;
	[dreg:$0x10] =	wrdreg s10  }
0x1b: {  	s8 =	sadd.s32 s3, s8;
	s3 =	sadd.s32 s3, s11;
	s10 =	simm.s32 $0x8  }
0x1c: {  	s11 =	simm.s32 $0x1;
	s6 =	sadd.s32 s1, s6;
	[dreg:$0x11] =	wrdreg s8  }
0x1d: {  	s0 =	sadd.s32 s17, s0;
	s3 =	sadd.s32 $0x27000, s3;
	s22 =	sadd.s32 s18, s5  }
0x1e: {  	s8 =	simm.s32 $0x6;
	s17 =	simm.s32 $0x0;
	[dreg:$0xf] =	wrdreg s6  }
0x1f: {  	s6 =	sadd.s32 s1, s12;
	[dreg:$0x13] =	wrdreg s3;
	s0 =	sadd.s32 s19, s0  }
0x20: {  	s5 =	sadd.s32 $0x280, s22;
	s23 =	sadd.s32 $0x200, s22;
	[dreg:$0x12] =	wrdreg s6  }
0x21: {  	s3 =	simm.s32 $0x4;
	s12 =	simm.s32 $0x2;
	[dreg:$0x5] =	wrdreg s0  }
0x22: {  	s24 =	sshrl.u32 s5, $0x3;
	s25 =	sshrl.u32 s23, $0x3;
	s5 =	simm.s32 $0x17880  }
0x23: {  	s6 =	simm.s32 $0x80;
	s0 =	sadd.s32 s24, s1;
	s26 =	sadd.s32 s25, s1  }
0x24: {  	s24 =	sadd.s32 $0x180, s22;
	s25 =	simm.s32 $0x17900;
	[dreg:$0x15] =	wrdreg s0  }
0x25: {  	v0 =	vimm.f32 $0.0e+00;
	[dreg:$0x16] =	wrdreg s26;
	s26 =	simm.s32 $0x1B900;
	s0 =	simm.s32 $0x3  }
.LBB2_1:
0x26: {  	s9 =	rddreg [dreg:$0x6]  }
0x27: {  	[tilespmem:s25], [sflag:$0x3] =	stream.linear.gather [hbm4b:s9+s4], $0x4000, $0x38;
	[tilespmem:$0x1FA80] =	vst v63  }
0x28: {  	s21 =	rddreg [dreg:$0x7]  }
0x29: {  	[tilespmem:s26], [sflag:$0x4] =	stream.linear.gather [hbm4b:s21+s4], $0x80, $0x38;
	[tilespmem:$0x1FA80] =	vst v63  }
0x2a: {  	s22 =	rddreg [dreg:$0x8]  }
0x2b: {  	[tilespmem:s28], [sflag:$0x5] =	stream.linear.gather [hbm4b:s22+s4], $0x4000, $0x38;
	[tilespmem:$0x1FA80] =	vst v63  }
0x2c: {  	s23 =	rddreg [dreg:$0x9];
	s18 =	simm.s32 $0x0;
	s19 =	simm.s32 $0x200  }
0x2d: {  	[tilespmem:s29], [sflag:$0x6] =	stream.linear.gather [hbm4b:s23+s4], $0x80, $0x38;
	[tilespmem:$0x1FA80] =	vst v63  }
.LBB2_2:
0x2e: {  	p1 =	sne.s32 s19, $0xFE00;
	[tilespmem:s18+$0x138F0] =	vst v0  }
0x2f: {  	[tilespmem:s18+$0x13880] =	vst v0  }
0x30: {  	[tilespmem:s18+$0x13890] =	vst v0  }
.Ltmp0:
0x31: {  	[tilespmem:s18+$0x138A0] =	vst v0;
	(pc) =	sbr.rel @p1 .LBB2_2-.Ltmp0, $4  }
0x32: {  	[tilespmem:s18+$0x138B0] =	vst v0  }
0x33: {  	[tilespmem:s18+$0x138C0] =	vst v0  }
0x34: {  	[tilespmem:s18+$0x138D0] =	vst v0  }
0x35: {  	[tilespmem:s18+$0x138E0] =	vst v0;
	s18 =	sshra.s32 s19, $0x2;
	s19 =	sadd.s32 $0x200, s19  }
0x36: {  	[tilespmem:s18+$0x138F0] =	vst v0  }
0x37: {  	[tilespmem:s18+$0x13880] =	vst v0  }
0x38: {  	[tilespmem:s18+$0x13890] =	vst v0  }
0x39: {  	[tilespmem:s18+$0x138A0] =	vst v0  }
0x3a: {  	[tilespmem:s18+$0x138B0] =	vst v0  }
0x3b: {  	[tilespmem:s18+$0x138C0] =	vst v0  }
0x3c: {  	[tilespmem:s18+$0x138D0] =	vst v0  }
0x3d: {  	[tilespmem:s18+$0x138E0] =	vst v0  }
0x3e: {  	[spmem:s15] =	stream.linear.scatter [tilespmem:s30], [sflag:$0x7], $0x4000, $0x38;
	[tilespmem:$0x1FA80] =	vst v63  }
0x3f: {  	s9 =	rddreg [dreg:$0xa]  }
0x40: {  	[spmem:s9] =	stream.linear.scatter [tilespmem:s30], [sflag:$0x7], $0x4000, $0x38;
	[tilespmem:$0x1FA80] =	vst v63  }
0x41: {  	s14 =	rddreg [dreg:$0xb]  }
0x42: {  	[spmem:s14] =	stream.linear.scatter [tilespmem:s30], [sflag:$0x7], $0x4000, $0x38;
	[tilespmem:$0x1FA80] =	vst v63  }
0x43: {  	s22 =	smov.u32 s15;
	s15 =	rddreg [dreg:$0xc]  }
0x44: {  	[spmem:s15] =	stream.linear.scatter [tilespmem:s30], [sflag:$0x7], $0x4000, $0x38;
	[tilespmem:$0x1FA80] =	vst v63  }
0x45: {  	s18 =	rddreg [dreg:$0xd]  }
0x46: {  	[spmem:s18] =	stream.linear.scatter [tilespmem:s30], [sflag:$0x7], $0x3800, $0x38;
	[tilespmem:$0x1FA80] =	vst v63  }
0x47: {  	_ =	swait.ge [sflag:s31], $0x4000  }
0x48: {  	[sflag:s31] =	ssyncset.done $0x0  }
0x49: {  	[sflag:s31] =	ssyncadd.s32 $0xFFFFC000  }
0x4a: {  	_ =	swait.ge [sflag:s31], $0x4000  }
0x4b: {  	[sflag:s31] =	ssyncset.done $0x0  }
0x4c: {  	[sflag:s31] =	ssyncadd.s32 $0xFFFFC000  }
0x4d: {  	_ =	swait.ge [sflag:s31], $0x4000  }
0x4e: {  	[sflag:s31] =	ssyncset.done $0x0  }
0x4f: {  	[sflag:s31] =	ssyncadd.s32 $0xFFFFC000  }
0x50: {  	_ =	swait.ge [sflag:s31], $0x4000  }
0x51: {  	[sflag:s31] =	ssyncset.done $0x0  }
0x52: {  	[sflag:s31] =	ssyncadd.s32 $0xFFFFC000  }
0x53: {  	_ =	swait.ge [sflag:s31], $0x3800  }
0x54: {  	[sflag:s31] =	ssyncset.done $0x0  }
0x55: {  	s18 =	simm.s32 @!p0 $0x13880;
	[sflag:s31] =	ssyncadd.s32 $0xFFFFC800  }
0x56: {  	[spmem:s20] =	stream.linear.scatter @!p0 [tilespmem:s18], [sflag:$0xA], $0x800, $0x38;
	[tilespmem:$0x1FA80] =	vst v63  }
0x57: {  	s18 =	simm.s32 @!p0 $0xA  }
0x58: {  	_ =	swait.ge @!p0 [sflag:s18], $0x800  }
0x59: {  	[sflag:s18] =	ssyncset.done @!p0 $0x0  }
0x5a: {  	[sflag:s18] =	ssyncadd.s32 @!p0 $0xFFFFF800  }
0x5b: {  	[bflag:$0x0] =	sbarrier.arrive $0xFFFF  }
0x5c: {  	_ =	swait.ge [sflag:s0], $0x4000  }
0x5d: {  	[sflag:s0] =	ssyncset.done $0x0  }
0x5e: {  	[sflag:s0] =	ssyncadd.s32 $0xFFFFC000  }
0x5f: {  	_ =	swait.ge [sflag:s3], $0x80  }
0x60: {  	s23 =	smov.u32 s20;
	[sflag:s3] =	ssyncset.done $0x0  }
0x61: {  	s19 =	simm.s32 $0x0;
	s20 =	rddreg [dreg:$0xe];
	[sflag:s3] =	ssyncadd.s32 $0xFFFFFF80  }
0x62: {  	[tilespmem:s30], [sflag:$0x1] =	stream.linear.gather [hbm4b:s20+s19], $0x4000, $0x38;
	[tilespmem:$0x1FA80] =	vst v63  }
0x63: {  	s21 =	rddreg [dreg:$0xf]  }
0x64: {  	[tilespmem:s5], [sflag:$0x2] =	stream.linear.gather [hbm4b:s21+s19], $0x80, $0x38;
	[tilespmem:$0x1FA80] =	vst v63  }
0x65: {  	_ = 	snop  }
0x66: {  	[spmem:s2] =	stream.indirect.scatter.add.f32 [tilespmem:s25], [sflag:$0x8], $0x80, s26, s6, $0xb8;
	[tilespmem:$0x1FA80] =	vst v63  }
0x67: {  	_ =	swait.ge [sflag:s7], $0x4000  }
0x68: {  	[sflag:s7] =	ssyncset.done $0x0  }
0x69: {  	[sflag:s7] =	ssyncadd.s32 $0xFFFFC000  }
0x6a: {  	_ =	swait.ge [sflag:s8], $0x80  }
0x6b: {  	[sflag:s8] =	ssyncset.done $0x0  }
0x6c: {  	[sflag:s8] =	ssyncadd.s32 $0xFFFFFF80  }
0x6d: {  	_ =	swait.ge [sflag:s10], $0x4000  }
0x6e: {  	s9 =	rddreg [dreg:$0x5]  }
0x6f: {  	[sflag:s10] =	ssyncset.done $0x0;
	s18 =	sadd.s32 $0x0, s9  }
0x70: {  	s14 =	sshrl.u32 s24, $0x3;
	[sflag:s10] =	ssyncadd.s32 $0xFFFFC000;
	s19 =	sadd.s32 $0x1800, s18  }
0x71: {  	[tilespmem:s25], [sflag:$0x3] =	stream.linear.gather [hbm4b:s19+s4], $0x4000, $0x38;
	[tilespmem:$0x1FA80] =	vst v63  }
0x72: {  	s15 =	sadd.s32 s1, s14  }
0x73: {  	[tilespmem:s26], [sflag:$0x4] =	stream.linear.gather [hbm4b:s15+s4], $0x80, $0x38;
	[tilespmem:$0x1FA80] =	vst v63  }
0x74: {  	_ = 	snop  }
0x75: {  	[spmem:s2] =	stream.indirect.scatter.add.f32 [tilespmem:s28], [sflag:$0x9], $0x80, s29, s6, $0xb8;
	[tilespmem:$0x1FA80] =	vst v63  }
0x76: {  	_ =	swait.ge [sflag:s11], $0x4000  }
0x77: {  	[sflag:s11] =	ssyncset.done $0x0  }
0x78: {  	[sflag:s11] =	ssyncadd.s32 $0xFFFFC000  }
0x79: {  	_ =	swait.ge [sflag:s12], $0x80  }
0x7a: {  	[sflag:s12] =	ssyncset.done $0x0  }
0x7b: {  	[sflag:s12] =	ssyncadd.s32 $0xFFFFFF80  }
0x7c: {  	_ =	swait.ge [sflag:s13], $0x4000  }
0x7d: {  	[sflag:s13] =	ssyncset.done $0x0  }
0x7e: {  	s20 =	sadd.s32 $0x2000, s18;
	[sflag:s13] =	ssyncadd.s32 $0xFFFFC000  }
0x7f: {  	[tilespmem:s28], [sflag:$0x5] =	stream.linear.gather [hbm4b:s20+s4], $0x4000, $0x38;
	[tilespmem:$0x1FA80] =	vst v63  }
0x80: {  	s14 =	rddreg [dreg:$0x16]  }
0x81: {  	[tilespmem:s29], [sflag:$0x6] =	stream.linear.gather [hbm4b:s14+s4], $0x80, $0x38;
	[tilespmem:$0x1FA80] =	vst v63  }
0x82: {  	_ = 	snop  }
0x83: {  	[spmem:s2] =	stream.indirect.scatter.add.f32 [tilespmem:s30], [sflag:$0x7], $0x80, s5, s6, $0xb8;
	[tilespmem:$0x1FA80] =	vst v63  }
0x84: {  	_ =	swait.ge [sflag:s0], $0x4000  }
0x85: {  	[sflag:s0] =	ssyncset.done $0x0  }
0x86: {  	[sflag:s0] =	ssyncadd.s32 $0xFFFFC000  }
0x87: {  	_ =	swait.ge [sflag:s3], $0x80  }
0x88: {  	[sflag:s3] =	ssyncset.done $0x0  }
0x89: {  	[sflag:s3] =	ssyncadd.s32 $0xFFFFFF80  }
0x8a: {  	_ =	swait.ge [sflag:s31], $0x4000  }
0x8b: {  	[sflag:s31] =	ssyncset.done $0x0  }
0x8c: {  	s18 =	sadd.s32 $0x2800, s18;
	[sflag:s31] =	ssyncadd.s32 $0xFFFFC000  }
0x8d: {  	[tilespmem:s30], [sflag:$0x1] =	stream.linear.gather [hbm4b:s18+s4], $0x4000, $0x38;
	[tilespmem:$0x1FA80] =	vst v63  }
0x8e: {  	s20 =	sadd.s32 $0x30, s14;
	s21 =	rddreg [dreg:$0x15]  }
0x8f: {  	[tilespmem:s5], [sflag:$0x2] =	stream.linear.gather [hbm4b:s21+s4], $0x80, $0x38;
	[tilespmem:$0x1FA80] =	vst v63  }
0x90: {  	s19 =	sadd.s32 $0x30, s21;
	s18 =	simm.s32 $0x1800;
	s21 =	sadd.s32 $0x180, s24  }
.LBB2_4:
0x91: {  	[spmem:s2] =	stream.indirect.scatter.add.f32 [tilespmem:s25], [sflag:$0x8], $0x80, s26, s6, $0xb8;
	[tilespmem:$0x1FA80] =	vst v63  }
0x92: {  	_ =	swait.ge [sflag:s7], $0x4000  }
0x93: {  	[sflag:s7] =	ssyncset.done $0x0  }
0x94: {  	[sflag:s7] =	ssyncadd.s32 $0xFFFFC000  }
0x95: {  	_ =	swait.ge [sflag:s8], $0x80  }
0x96: {  	[sflag:s8] =	ssyncset.done $0x0  }
0x97: {  	[sflag:s8] =	ssyncadd.s32 $0xFFFFFF80  }
0x98: {  	_ =	swait.ge [sflag:s10], $0x4000  }
0x99: {  	s15 =	smov.u32 s18;
	s14 =	rddreg [dreg:$0x5]  }
0x9a: {  	[sflag:s10] =	ssyncset.done $0x0;
	s14 =	sadd.s32 s15, s14  }
0x9b: {  	s9 =	sshrl.u32 s21, $0x3;
	[sflag:s10] =	ssyncadd.s32 $0xFFFFC000;
	s15 =	sadd.s32 $0x1800, s14  }
0x9c: {  	[tilespmem:s25], [sflag:$0x3] =	stream.linear.gather [hbm4b:s15+s4], $0x4000, $0x38;
	[tilespmem:$0x1FA80] =	vst v63  }
0x9d: {  	s9 =	sadd.s32 s1, s9  }
0x9e: {  	[tilespmem:s26], [sflag:$0x4] =	stream.linear.gather [hbm4b:s9+s4], $0x80, $0x38;
	[tilespmem:$0x1FA80] =	vst v63  }
0x9f: {  	_ = 	snop  }
0xa0: {  	[spmem:s2] =	stream.indirect.scatter.add.f32 [tilespmem:s28], [sflag:$0x9], $0x80, s29, s6, $0xb8;
	[tilespmem:$0x1FA80] =	vst v63  }
0xa1: {  	_ =	swait.ge [sflag:s11], $0x4000  }
0xa2: {  	[sflag:s11] =	ssyncset.done $0x0  }
0xa3: {  	[sflag:s11] =	ssyncadd.s32 $0xFFFFC000  }
0xa4: {  	_ =	swait.ge [sflag:s12], $0x80  }
0xa5: {  	[sflag:s12] =	ssyncset.done $0x0  }
0xa6: {  	[sflag:s12] =	ssyncadd.s32 $0xFFFFFF80  }
0xa7: {  	_ =	swait.ge [sflag:s13], $0x4000  }
0xa8: {  	[sflag:s13] =	ssyncset.done $0x0  }
0xa9: {  	s15 =	sadd.s32 $0x2000, s14;
	[sflag:s13] =	ssyncadd.s32 $0xFFFFC000  }
0xaa: {  	[tilespmem:s28], [sflag:$0x5] =	stream.linear.gather [hbm4b:s15+s4], $0x4000, $0x38;
	[tilespmem:$0x1FA80] =	vst v63  }
0xab: {  	_ = 	snop  }
0xac: {  	[tilespmem:s29], [sflag:$0x6] =	stream.linear.gather [hbm4b:s20+s4], $0x80, $0x38;
	[tilespmem:$0x1FA80] =	vst v63  }
0xad: {  	_ = 	snop  }
0xae: {  	[spmem:s2] =	stream.indirect.scatter.add.f32 [tilespmem:s30], [sflag:$0x7], $0x80, s5, s6, $0xb8;
	[tilespmem:$0x1FA80] =	vst v63  }
0xaf: {  	_ =	swait.ge [sflag:s0], $0x4000  }
0xb0: {  	[sflag:s0] =	ssyncset.done $0x0  }
0xb1: {  	[sflag:s0] =	ssyncadd.s32 $0xFFFFC000  }
0xb2: {  	_ =	swait.ge [sflag:s3], $0x80  }
0xb3: {  	[sflag:s3] =	ssyncset.done $0x0  }
0xb4: {  	[sflag:s3] =	ssyncadd.s32 $0xFFFFFF80  }
0xb5: {  	_ =	swait.ge [sflag:s31], $0x4000  }
0xb6: {  	p1 =	sne.s32 s18, $0x24000;
	[sflag:s31] =	ssyncset.done $0x0  }
.Ltmp1:
0xb7: {  	s15 =	sadd.s32 $0x2800, s14;
	[sflag:s31] =	ssyncadd.s32 $0xFFFFC000;
	(pc) =	sbr.rel @p1 .LBB2_4-.Ltmp1, $4  }
0xb8: {  	[tilespmem:s30], [sflag:$0x1] =	stream.linear.gather [hbm4b:s15+s4], $0x4000, $0x38;
	[tilespmem:$0x1FA80] =	vst v63  }
0xb9: {  	s18 =	sadd.s32 $0x1800, s18  }
0xba: {  	[tilespmem:s5], [sflag:$0x2] =	stream.linear.gather [hbm4b:s19+s4], $0x80, $0x38;
	[tilespmem:$0x1FA80] =	vst v63  }
0xbb: {  	s21 =	sadd.s32 $0x180, s21;
	s20 =	sadd.s32 $0x30, s20;
	s19 =	sadd.s32 $0x30, s19  }
0xbc: {  	[spmem:s2] =	stream.indirect.scatter.add.f32 [tilespmem:s25], [sflag:$0x8], $0x80, s26, s6, $0xb8;
	[tilespmem:$0x1FA80] =	vst v63  }
0xbd: {  	_ =	swait.ge [sflag:s7], $0x4000  }
0xbe: {  	[sflag:s7] =	ssyncset.done $0x0  }
0xbf: {  	[sflag:s7] =	ssyncadd.s32 $0xFFFFC000  }
0xc0: {  	_ =	swait.ge [sflag:s8], $0x80  }
0xc1: {  	[sflag:s8] =	ssyncset.done $0x0  }
0xc2: {  	[sflag:s8] =	ssyncadd.s32 $0xFFFFFF80  }
0xc3: {  	_ =	swait.ge [sflag:s10], $0x4000  }
0xc4: {  	[sflag:s10] =	ssyncset.done $0x0  }
0xc5: {  	s9 =	rddreg [dreg:$0x10];
	[sflag:s10] =	ssyncadd.s32 $0xFFFFC000  }
0xc6: {  	[tilespmem:s25], [sflag:$0x3] =	stream.linear.gather [hbm4b:s9+s4], $0x800, $0x38;
	[tilespmem:$0x1FA80] =	vst v63  }
0xc7: {  	s14 =	simm.s32 $0x1FA00;
	s19 =	rddreg [dreg:$0x12]  }
0xc8: {  	[tilespmem:s14], [sflag:$0x4] =	stream.linear.gather [hbm4b:s19+s4], $0x10, $0x38;
	[tilespmem:$0x1FA80] =	vst v63  }
0xc9: {  	_ = 	snop  }
0xca: {  	[spmem:s2] =	stream.indirect.scatter.add.f32 [tilespmem:s28], [sflag:$0x9], $0x80, s29, s6, $0xb8;
	[tilespmem:$0x1FA80] =	vst v63  }
0xcb: {  	_ =	swait.ge [sflag:s11], $0x4000  }
0xcc: {  	[sflag:s11] =	ssyncset.done $0x0  }
0xcd: {  	[sflag:s11] =	ssyncadd.s32 $0xFFFFC000  }
0xce: {  	_ =	swait.ge [sflag:s12], $0x80  }
0xcf: {  	[sflag:s12] =	ssyncset.done $0x0  }
0xd0: {  	[sflag:s12] =	ssyncadd.s32 $0xFFFFFF80  }
0xd1: {  	_ =	swait.ge [sflag:s13], $0x4000  }
0xd2: {  	[sflag:s13] =	ssyncset.done $0x0  }
0xd3: {  	[sflag:s13] =	ssyncadd.s32 $0xFFFFC000  }
0xd4: {  	[spmem:s2] =	stream.indirect.scatter.add.f32 [tilespmem:s30], [sflag:$0x7], $0x80, s5, s6, $0xb8;
	[tilespmem:$0x1FA80] =	vst v63  }
0xd5: {  	_ =	swait.ge [sflag:s31], $0x4000  }
0xd6: {  	[sflag:s31] =	ssyncset.done $0x0  }
0xd7: {  	[sflag:s31] =	ssyncadd.s32 $0xFFFFC000  }
0xd8: {  	_ =	swait.ge [sflag:s0], $0x800  }
0xd9: {  	[sflag:s0] =	ssyncset.done $0x0  }
0xda: {  	[sflag:s0] =	ssyncadd.s32 $0xFFFFF800  }
0xdb: {  	_ =	swait.ge [sflag:s3], $0x10  }
0xdc: {  	[sflag:s3] =	ssyncset.done $0x0  }
0xdd: {  	s20 =	simm.s32 $0x10;
	[sflag:s3] =	ssyncadd.s32 $0xFFFFFFF0  }
0xde: {  	[spmem:s2] =	stream.indirect.scatter.add.f32 [tilespmem:s25], [sflag:$0xA], $0x80, s14, s20, $0xb8;
	[tilespmem:$0x1FA80] =	vst v63  }
0xdf: {  	_ =	swait.ge [sflag:s16], $0x800  }
0xe0: {  	[sflag:s16] =	ssyncset.done $0x0  }
0xe1: {  	s21 =	stileid.u32;
	[sflag:s16] =	ssyncadd.s32 $0xFFFFF800  }
0xe2: {  	s15 =	smov.u32 s22;
	s9 =	sshll.u32 s21, $0x6;
	[bflag:$0x0] =	sbarrier.arrive $0xFFFF  }
0xe3: {  	s22 =	sshrl.u32 s22, $0x3;
	s9 =	sor.u32 $0x1C0A, s9;
	s18 =	rddreg [dreg:$0x11]  }
0xe4: {  	[hbm:s18], [sflag:s9] =	dma.local [spmem:s22], $0x2700  }
0xe5: {  	_ =	swait.ge [sflag:s16], $0x2700  }
0xe6: {  	[sflag:s16] =	ssyncset.done $0x0  }
0xe7: {  	s14 =	sshrl.u32 @!p0 s23, $0x3;
	s18 =	rddreg [dreg:$0x13];
	[sflag:s16] =	ssyncadd.s32 $0xFFFFD900  }
0xe8: {  	[hbm:s18], [sflag:s9] =	dma.local @!p0 [spmem:s14], $0x100  }
0xe9: {  	s9 =	simm.s32 @!p0 $0xA  }
0xea: {  	_ =	swait.ge @!p0 [sflag:s9], $0x100  }
0xeb: {  	s17 =	sadd.s32 $0x1, s17;
	s20 =	smov.u32 s23;
	s23 =	rddreg [dreg:$0x14]  }
0xec: {  	p1 =	sne.s32 s17, s23  }
.Ltmp2:
0xed: {  	_ = 	snop;
	(pc) =	sbr.rel @p1 .LBB2_1-.Ltmp2, $3  }
0xee: {  	_ =	sdelay $0x1  }
0xef: {  	[sflag:s9] =	ssyncset.done @!p0 $0x0  }
0xf0: {  	[sflag:s9] =	ssyncadd.s32 @!p0 $0xFFFFFF00  }
0xf1: {  	_ =	sfence.sel $0x180000  }
0xf2: {  	[bflag:$0x0] =	sbarrier.arrive $0xFFFF  }
0xf3: {  	_ =	strace $0x90000047  }
0xf4: {  	s0 =	stileid.u32;
	[bflag:$0x2] =	sbarrier.arrive $0xFFFF  }
0xf5: {  	p0 =	sne.s32 s0, $0x0;
	s0 =	rddreg [dreg:$0x4]  }
0xf6: {  	s0 =	sadd.s32 @!p0 $0x100000, s0  }
0xf7: {  	[sflag:s0] =	ssyncadd.tile.s32 @!p0 $0x1;
	_ =	shalt  }
.Lfunc_end2:
_tile_overlayer_lowered:
.L_overlay_start_2:
0xf8: {  	(tag) =	ssettag $0x2  }
0xf9: {  	s0 =	rddreg [dreg:$0x0];
	s2 =	stileid.u32  }
0xfa: {  	s1 =	rddreg [dreg:$0x1];
	p0 =	sne.s32 s2, $0x0  }
0xfb: {  	s3 =	rddreg [dreg:$0x2];
	[bflag:$0x3] =	sbarrier.arrive $0xFFFF;
	s2 =	simm.s32 @!p0 $0x1C0A  }
0xfc: {  	[timem:s3], [sflag:s2] =	dma.local @!p0 [hbm:s0], s1  }
0xfd: {  	s0 =	simm.s32 @!p0 $0xA  }
0xfe: {  	_ =	swait.ge @!p0 [sflag:s0], s1  }
0xff: {  	s1 =	ssub.s32 @!p0 $0x0, s1;
	[sflag:s0] =	ssyncset.done @!p0 $0x0  }
0x100: {  	[sflag:s0] =	ssyncadd.s32 @!p0 s1  }
0x101: {  	[bflag:$0x3] =	sbarrier.arrive $0xFFFF  }
0x102: {  	_ =	shalt  }

</sc_bundles>
